<compile_context>
chip_gen: v7x
topology: tpu7x:2x2x1
jax: 0.10.2.dev20260603
libtpu: 0.0.44.dev20260713+nightly
codegen_flags: <defaults>
</compile_context>

<pallas_src>
import functools

import jax
import jax.numpy as jnp
from jax import lax
from jax.experimental import pallas as pl
from jax.experimental.pallas import tpu as pltpu
from jax.experimental.pallas import tpu_sc as plsc

LANES = 16
NUM_GRAPHS = 64


def _matvec_body(x_ref, wrel_ref, wroot_ref, rel_ref, root_ref):
    w = jnp.concatenate([wrel_ref[...], wroot_ref[...]], axis=0).T
    y2 = jnp.dot(x_ref[...], w,
                 preferred_element_type=jnp.float32)
    yt = y2.T
    rel_ref[...] = yt[0]
    root_ref[...] = yt[1]


def _edge_body(n_pad, n_blocks, num_cores, num_workers,
               y_hbm, ei_hbm, out_hbm, y_v, src_v, dst_v, acc_v, sem):
    q, r = divmod(n_blocks, num_workers)
    wid = lax.axis_index("s") * num_cores + lax.axis_index("c")
    nb = q + (wid >= num_workers - r).astype(jnp.int32)
    b0 = q * wid + jnp.maximum(0, wid - (num_workers - r))
    h1 = (q + 1) // 2
    h2 = (q + 1) - h1
    cp1 = [
        pltpu.async_copy(y_hbm, y_v, sem),
        pltpu.async_copy(ei_hbm.at[0, pl.ds(b0 * 128, h1 * 128)],
                         src_v.at[pl.ds(0, h1 * 128)], sem),
        pltpu.async_copy(ei_hbm.at[1, pl.ds(b0 * 128, h1 * 128)],
                         dst_v.at[pl.ds(0, h1 * 128)], sem),
    ]
    cp2 = [
        pltpu.async_copy(ei_hbm.at[0, pl.ds((b0 + h1) * 128, h2 * 128)],
                         src_v.at[pl.ds(h1 * 128, h2 * 128)], sem),
        pltpu.async_copy(ei_hbm.at[1, pl.ds((b0 + h1) * 128, h2 * 128)],
                         dst_v.at[pl.ds(h1 * 128, h2 * 128)], sem),
    ]

    zero = jnp.zeros((LANES,), jnp.float32)

    def zero_body(i, carry):
        for l in range(8):
            acc_v[pl.ds((i * 8 + l) * LANES, LANES)] = zero
        return carry

    lax.fori_loop(0, n_pad // (8 * LANES), zero_body, 0)

    def edge_block(j):
        for l in range(8):
            s = src_v[pl.ds(j * 128 + l * LANES, LANES)]
            d = dst_v[pl.ds(j * 128 + l * LANES, LANES)]
            vals = plsc.load_gather(y_v, [s])
            plsc.addupdate_scatter(acc_v, [d], vals)

    for c in cp1:
        c.wait()
    plsc.parallel_loop(0, h1, unroll=2)(edge_block)
    for c in cp2:
        c.wait()
    plsc.parallel_loop(h1, nb, unroll=2)(edge_block)
    pltpu.sync_copy(acc_v, out_hbm.at[wid])


def _pool_body(n, x_ref, batch_ref, epart_ref, yroot_ref, brel_ref, out_ref):
    e = jnp.sum(epart_ref[...], axis=0, keepdims=True)[:, :n]
    xc = e + brel_ref[0, 0] + yroot_ref[...].reshape(1, n)
    bids = lax.broadcasted_iota(jnp.int32, (NUM_GRAPHS, 1), 0)
    mask = batch_ref[...].reshape(1, n) == bids
    masked = jnp.where(mask, xc, -jnp.inf)
    seg_max = jnp.max(masked, axis=1, keepdims=True)
    seg_max = jnp.where(jnp.isfinite(seg_max), seg_max, 0.0)
    maskf = mask.astype(jnp.float32)
    m_node = jnp.dot(seg_max.reshape(1, NUM_GRAPHS), maskf,
                     precision=lax.Precision.HIGHEST,
                     preferred_element_type=jnp.float32)
    ex = jnp.exp(xc - m_node)
    denom = jnp.sum(maskf * ex, axis=1, keepdims=True)
    denom_node = jnp.dot(denom.reshape(1, NUM_GRAPHS), maskf,
                         precision=lax.Precision.HIGHEST,
                         preferred_element_type=jnp.float32)
    scores = ex / (denom_node + 1e-16)
    out_ref[...] = jnp.dot(maskf * scores, x_ref[...],
                           preferred_element_type=jnp.float32)


def kernel(x, edge_index, batch, W_rel, b_rel, W_root):
    n, d = x.shape
    e_edges = edge_index.shape[1]
    n_pad = ((n + 1279) // 1280) * 1280

    info = plsc.get_sparse_core_info()
    num_workers = info.num_cores * info.num_subcores
    n_blocks = e_edges // 128
    assert n_blocks * 128 == e_edges
    q = n_blocks // num_workers + 1

    y_rel, y_root = pl.pallas_call(
        _matvec_body,
        out_shape=[jax.ShapeDtypeStruct((n,), jnp.float32),
                   jax.ShapeDtypeStruct((n,), jnp.float32)],
    )(x, W_rel.reshape(1, d), W_root.reshape(1, d))

    edge_call = functools.partial(
        pl.kernel,
        out_type=jax.ShapeDtypeStruct((num_workers, n_pad), jnp.float32),
        mesh=plsc.VectorSubcoreMesh(core_axis_name="c", subcore_axis_name="s"),
        compiler_params=pltpu.CompilerParams(needs_layout_passes=False),
        scratch_types=[
            pltpu.VMEM((n,), jnp.float32),
            pltpu.VMEM((q * 128,), jnp.int32),
            pltpu.VMEM((q * 128,), jnp.int32),
            pltpu.VMEM((n_pad,), jnp.float32),
            pltpu.SemaphoreType.DMA,
        ],
    )(functools.partial(_edge_body, n_pad, n_blocks, info.num_cores,
                        num_workers))
    epart = edge_call(y_rel, edge_index)

    gx = pl.pallas_call(
        functools.partial(_pool_body, n),
        out_shape=jax.ShapeDtypeStruct((NUM_GRAPHS, d), jnp.float32),
    )(x, batch, epart, y_root, b_rel.reshape(1, 1))
    return gx

# --- scband reference (transcript-rebuilt; emitter-appended) ---
"""Pipeline reference for scband-global-attention-pool-18021682774957 (READ-ONLY COPY).

The authoritative reference and input builder live on the scoring server;
editing this copy changes nothing except your own understanding.
"""

import jax, jax.numpy as jnp
import numpy as np

N = 10000   # nodes
E = 320000  # edges
D = 128     # hidden_dim
B = 64      # graphs in batch


def setup_inputs(seed: int = 0) -> dict:
    key = jax.random.key(seed)
    k1, k2, k3, k4, k5 = jax.random.split(key, 5)
    x = jax.random.normal(k1, (N, D), dtype=jnp.float32)
    edge_index = jax.random.randint(k2, (2, E), 0, N, dtype=jnp.int32)
    batch = jnp.sort(jax.random.randint(k3, (N,), 0, B, dtype=jnp.int32))
    # GraphConv(hidden_dim, 1) parameters (PyG GraphConv: lin_rel has bias, lin_root no bias)
    W_rel = jax.random.normal(k4, (D, 1), dtype=jnp.float32) * 0.05
    b_rel = jnp.zeros((1,), dtype=jnp.float32)
    W_root = jax.random.normal(k5, (D, 1), dtype=jnp.float32) * 0.05
    return {"x": x, "edge_index": edge_index, "batch": batch,
            "W_rel": W_rel, "b_rel": b_rel, "W_root": W_root}


def reference(x, edge_index, batch, W_rel, b_rel, W_root):
    src = edge_index[0]
    dst = edge_index[1]
    # GraphConv with add aggregation: out = lin_rel(sum_j x_j) + lin_root(x)
    agg = jax.ops.segment_sum(x[src], dst, num_segments=N)
    x_conv = agg @ W_rel + b_rel + x @ W_root  # [N, 1]
    # segment softmax over graphs (torch_geometric.utils.softmax, dim=0)
    seg_max = jax.ops.segment_max(x_conv, batch, num_segments=B)
    seg_max = jnp.where(jnp.isfinite(seg_max), seg_max, 0.0)
    ex = jnp.exp(x_conv - seg_max[batch])
    denom = jax.ops.segment_sum(ex, batch, num_segments=B)
    scores = ex / (denom[batch] + 1e-16)  # [N, 1]
    # global_add_pool(x * scores, batch)
    gx = jax.ops.segment_sum(x * scores, batch, num_segments=B)  # [B, D]
    return gx

if __name__ == "__main__":
    import jax
    _d = setup_inputs()
    print(jax.jit(kernel)(*tuple(_d.values())))

</pallas_src>

<mosaic_0001>
#map = affine_map<(d0, d1) -> (0)>
#map1 = affine_map<(d0, d1) -> (0, 0)>
module attributes {stable_mosaic.version = 14 : i64} {
  func.func @_edge_body(%arg0: i32, %arg1: i32, %arg2: memref<10000xf32, #tpu.memory_space<hbm>>, %arg3: memref<2x320000xi32, #tpu.memory_space<hbm>>, %arg4: memref<32x10240xf32, #tpu.memory_space<hbm>>, %arg5: memref<10000xf32, #tpu.memory_space<vmem>>, %arg6: memref<10112xi32, #tpu.memory_space<vmem>>, %arg7: memref<10112xi32, #tpu.memory_space<vmem>>, %arg8: memref<10240xf32, #tpu.memory_space<vmem>>, %arg9: memref<!tpu.dma_semaphore, #tpu.memory_space<semaphore_mem>>) attributes {dimension_semantics = [#tpu.dimension_semantics<core_parallel>, #tpu.dimension_semantics<subcore_parallel>], iteration_bounds = array<i64: 2, 16>, scalar_prefetch = 0 : i64, scratch_operands = 5 : i64, tpu.core_type = #tpu.core_type<sc_vector_subcore>, window_params = [{transform_indices = #map}, {transform_indices = #map1}, {transform_indices = #map1}]} {
    %mul3A = arith.constant 2 : i32
    %mul3A_0 = arith.muli %arg1, %mul3A : i32
    %add3A = arith.addi %mul3A_0, %arg0 : i32
    %ge3A = arith.constant 28 : i32
    %ge3A_1 = arith.cmpi sge, %add3A, %ge3A : i32
    %convert_element_type3A = arith.extui %ge3A_1 : i1 to i32
    %add3A_2 = arith.constant 78 : i32
    %add3A_3 = arith.addi %add3A_2, %convert_element_type3A : i32
    %mul3A_4 = arith.constant 78 : i32
    %mul3A_5 = arith.muli %mul3A_4, %add3A : i32
    %sub3A = arith.constant 28 : i32
    %sub3A_6 = arith.subi %add3A, %sub3A : i32
    %max3A = arith.constant 0 : i32
    %max3A_7 = arith.maxsi %max3A, %sub3A_6 : i32
    %add3A_8 = arith.addi %mul3A_5, %max3A_7 : i32
    tpu.enqueue_dma source(%arg2 : memref<10000xf32, #tpu.memory_space<hbm>>) target(%arg5 : memref<10000xf32, #tpu.memory_space<vmem>>) target_semaphore(%arg9 : memref<!tpu.dma_semaphore, #tpu.memory_space<semaphore_mem>>)
    %mul3A_9 = arith.constant 128 : i32
    %mul3A_10 = arith.muli %add3A_8, %mul3A_9 : i32
    %dma_start3A = arith.constant 0 : i32
    %dma_start3A_11 = arith.constant 0 : i32
    %dma_start3A_12 = tpu.memref_slice %arg6[%dma_start3A_11] : memref<10112xi32, #tpu.memory_space<vmem>> -> memref<4992xi32, #tpu.memory_space<vmem>>
    %dma_start3A_13 = tpu.memref_slice %arg3[%dma_start3A, %mul3A_10] : memref<2x320000xi32, #tpu.memory_space<hbm>> -> memref<1x4992xi32, #tpu.memory_space<hbm>>
    %dma_start3A_14 = tpu.memref_squeeze %dma_start3A_13 : memref<1x4992xi32, #tpu.memory_space<hbm>> -> memref<4992xi32, #tpu.memory_space<hbm>>
    %dma_start3A_15 = arith.constant 0 : i32
    %dma_start3A_16 = tpu.memref_slice %arg6[%dma_start3A_15] : memref<10112xi32, #tpu.memory_space<vmem>> -> memref<4992xi32, #tpu.memory_space<vmem>>
    %dma_start3A_17 = tpu.memref_slice %arg3[%dma_start3A, %mul3A_10] : memref<2x320000xi32, #tpu.memory_space<hbm>> -> memref<1x4992xi32, #tpu.memory_space<hbm>>
    %dma_start3A_18 = tpu.memref_squeeze %dma_start3A_17 : memref<1x4992xi32, #tpu.memory_space<hbm>> -> memref<4992xi32, #tpu.memory_space<hbm>>
    tpu.enqueue_dma source(%dma_start3A_18 : memref<4992xi32, #tpu.memory_space<hbm>>) target(%dma_start3A_16 : memref<4992xi32, #tpu.memory_space<vmem>>) target_semaphore(%arg9 : memref<!tpu.dma_semaphore, #tpu.memory_space<semaphore_mem>>)
    %mul3A_19 = arith.constant 128 : i32
    %mul3A_20 = arith.muli %add3A_8, %mul3A_19 : i32
    %dma_start3A_21 = arith.constant 1 : i32
    %dma_start3A_22 = arith.constant 0 : i32
    %dma_start3A_23 = tpu.memref_slice %arg7[%dma_start3A_22] : memref<10112xi32, #tpu.memory_space<vmem>> -> memref<4992xi32, #tpu.memory_space<vmem>>
    %dma_start3A_24 = tpu.memref_slice %arg3[%dma_start3A_21, %mul3A_20] : memref<2x320000xi32, #tpu.memory_space<hbm>> -> memref<1x4992xi32, #tpu.memory_space<hbm>>
    %dma_start3A_25 = tpu.memref_squeeze %dma_start3A_24 : memref<1x4992xi32, #tpu.memory_space<hbm>> -> memref<4992xi32, #tpu.memory_space<hbm>>
    %dma_start3A_26 = arith.constant 0 : i32
    %dma_start3A_27 = tpu.memref_slice %arg7[%dma_start3A_26] : memref<10112xi32, #tpu.memory_space<vmem>> -> memref<4992xi32, #tpu.memory_space<vmem>>
    %dma_start3A_28 = tpu.memref_slice %arg3[%dma_start3A_21, %mul3A_20] : memref<2x320000xi32, #tpu.memory_space<hbm>> -> memref<1x4992xi32, #tpu.memory_space<hbm>>
    %dma_start3A_29 = tpu.memref_squeeze %dma_start3A_28 : memref<1x4992xi32, #tpu.memory_space<hbm>> -> memref<4992xi32, #tpu.memory_space<hbm>>
    tpu.enqueue_dma source(%dma_start3A_29 : memref<4992xi32, #tpu.memory_space<hbm>>) target(%dma_start3A_27 : memref<4992xi32, #tpu.memory_space<vmem>>) target_semaphore(%arg9 : memref<!tpu.dma_semaphore, #tpu.memory_space<semaphore_mem>>)
    %add3A_30 = arith.constant 39 : i32
    %add3A_31 = arith.addi %add3A_8, %add3A_30 : i32
    %mul3A_32 = arith.constant 128 : i32
    %mul3A_33 = arith.muli %add3A_31, %mul3A_32 : i32
    %dma_start3A_34 = arith.constant 0 : i32
    %dma_start3A_35 = arith.constant 4992 : i32
    %dma_start3A_36 = tpu.memref_slice %arg6[%dma_start3A_35] : memref<10112xi32, #tpu.memory_space<vmem>> -> memref<5120xi32, #tpu.memory_space<vmem>>
    %dma_start3A_37 = tpu.memref_slice %arg3[%dma_start3A_34, %mul3A_33] : memref<2x320000xi32, #tpu.memory_space<hbm>> -> memref<1x5120xi32, #tpu.memory_space<hbm>>
    %dma_start3A_38 = tpu.memref_squeeze %dma_start3A_37 : memref<1x5120xi32, #tpu.memory_space<hbm>> -> memref<5120xi32, #tpu.memory_space<hbm>>
    %dma_start3A_39 = arith.constant 4992 : i32
    %dma_start3A_40 = tpu.memref_slice %arg6[%dma_start3A_39] : memref<10112xi32, #tpu.memory_space<vmem>> -> memref<5120xi32, #tpu.memory_space<vmem>>
    %dma_start3A_41 = tpu.memref_slice %arg3[%dma_start3A_34, %mul3A_33] : memref<2x320000xi32, #tpu.memory_space<hbm>> -> memref<1x5120xi32, #tpu.memory_space<hbm>>
    %dma_start3A_42 = tpu.memref_squeeze %dma_start3A_41 : memref<1x5120xi32, #tpu.memory_space<hbm>> -> memref<5120xi32, #tpu.memory_space<hbm>>
    tpu.enqueue_dma source(%dma_start3A_42 : memref<5120xi32, #tpu.memory_space<hbm>>) target(%dma_start3A_40 : memref<5120xi32, #tpu.memory_space<vmem>>) target_semaphore(%arg9 : memref<!tpu.dma_semaphore, #tpu.memory_space<semaphore_mem>>)
    %add3A_43 = arith.constant 39 : i32
    %add3A_44 = arith.addi %add3A_8, %add3A_43 : i32
    %mul3A_45 = arith.constant 128 : i32
    %mul3A_46 = arith.muli %add3A_44, %mul3A_45 : i32
    %dma_start3A_47 = arith.constant 1 : i32
    %dma_start3A_48 = arith.constant 4992 : i32
    %dma_start3A_49 = tpu.memref_slice %arg7[%dma_start3A_48] : memref<10112xi32, #tpu.memory_space<vmem>> -> memref<5120xi32, #tpu.memory_space<vmem>>
    %dma_start3A_50 = tpu.memref_slice %arg3[%dma_start3A_47, %mul3A_46] : memref<2x320000xi32, #tpu.memory_space<hbm>> -> memref<1x5120xi32, #tpu.memory_space<hbm>>
    %dma_start3A_51 = tpu.memref_squeeze %dma_start3A_50 : memref<1x5120xi32, #tpu.memory_space<hbm>> -> memref<5120xi32, #tpu.memory_space<hbm>>
    %dma_start3A_52 = arith.constant 4992 : i32
    %dma_start3A_53 = tpu.memref_slice %arg7[%dma_start3A_52] : memref<10112xi32, #tpu.memory_space<vmem>> -> memref<5120xi32, #tpu.memory_space<vmem>>
    %dma_start3A_54 = tpu.memref_slice %arg3[%dma_start3A_47, %mul3A_46] : memref<2x320000xi32, #tpu.memory_space<hbm>> -> memref<1x5120xi32, #tpu.memory_space<hbm>>
    %dma_start3A_55 = tpu.memref_squeeze %dma_start3A_54 : memref<1x5120xi32, #tpu.memory_space<hbm>> -> memref<5120xi32, #tpu.memory_space<hbm>>
    tpu.enqueue_dma source(%dma_start3A_55 : memref<5120xi32, #tpu.memory_space<hbm>>) target(%dma_start3A_53 : memref<5120xi32, #tpu.memory_space<vmem>>) target_semaphore(%arg9 : memref<!tpu.dma_semaphore, #tpu.memory_space<semaphore_mem>>)
    %broadcast_in_dim3A = arith.constant 0.000000e+00 : f32
    %broadcast_in_dim3A_56 = vector.broadcast %broadcast_in_dim3A : f32 to vector<16xf32>
    %scan3A = arith.constant 0 : i32
    %scan3A_57 = arith.constant 0 : i32
    %scan3A_58 = arith.constant 80 : i32
    %scan3A_59 = arith.addi %scan3A_57, %scan3A_58 : i32
    %scan3A_60 = arith.constant 1 : i32
    scf.for %scan3A_101 = %scan3A_57 to %scan3A_59 step %scan3A_60  : i32 {
      %mul3A_102 = arith.constant 8 : i32
      %mul3A_103 = arith.muli %scan3A_101, %mul3A_102 : i32
      %add3A_104 = arith.constant 0 : i32
      %add3A_105 = arith.addi %mul3A_103, %add3A_104 : i32
      %mul3A_106 = arith.constant 16 : i32
      %mul3A_107 = arith.muli %add3A_105, %mul3A_106 : i32
      %swap3A = arith.index_cast %mul3A_107 : i32 to index
      %swap3A_108 = tpu.vector_load %arg8[%swap3A] {strides = array<i32>} : memref<10240xf32, #tpu.memory_space<vmem>>, vector<16xf32>,
      tpu.vector_store %arg8[%swap3A], %broadcast_in_dim3A_56 {strides = array<i32>} : memref<10240xf32, #tpu.memory_space<vmem>>, vector<16xf32>,
      %mul3A_109 = arith.constant 8 : i32
      %mul3A_110 = arith.muli %scan3A_101, %mul3A_109 : i32
      %add3A_111 = arith.constant 1 : i32
      %add3A_112 = arith.addi %mul3A_110, %add3A_111 : i32
      %mul3A_113 = arith.constant 16 : i32
      %mul3A_114 = arith.muli %add3A_112, %mul3A_113 : i32
      %swap3A_115 = arith.index_cast %mul3A_114 : i32 to index
      %swap3A_116 = tpu.vector_load %arg8[%swap3A_115] {strides = array<i32>} : memref<10240xf32, #tpu.memory_space<vmem>>, vector<16xf32>,
      tpu.vector_store %arg8[%swap3A_115], %broadcast_in_dim3A_56 {strides = array<i32>} : memref<10240xf32, #tpu.memory_space<vmem>>, vector<16xf32>,
      %mul3A_117 = arith.constant 8 : i32
      %mul3A_118 = arith.muli %scan3A_101, %mul3A_117 : i32
      %add3A_119 = arith.constant 2 : i32
      %add3A_120 = arith.addi %mul3A_118, %add3A_119 : i32
      %mul3A_121 = arith.constant 16 : i32
      %mul3A_122 = arith.muli %add3A_120, %mul3A_121 : i32
      %swap3A_123 = arith.index_cast %mul3A_122 : i32 to index
      %swap3A_124 = tpu.vector_load %arg8[%swap3A_123] {strides = array<i32>} : memref<10240xf32, #tpu.memory_space<vmem>>, vector<16xf32>,
      tpu.vector_store %arg8[%swap3A_123], %broadcast_in_dim3A_56 {strides = array<i32>} : memref<10240xf32, #tpu.memory_space<vmem>>, vector<16xf32>,
      %mul3A_125 = arith.constant 8 : i32
      %mul3A_126 = arith.muli %scan3A_101, %mul3A_125 : i32
      %add3A_127 = arith.constant 3 : i32
      %add3A_128 = arith.addi %mul3A_126, %add3A_127 : i32
      %mul3A_129 = arith.constant 16 : i32
      %mul3A_130 = arith.muli %add3A_128, %mul3A_129 : i32
      %swap3A_131 = arith.index_cast %mul3A_130 : i32 to index
      %swap3A_132 = tpu.vector_load %arg8[%swap3A_131] {strides = array<i32>} : memref<10240xf32, #tpu.memory_space<vmem>>, vector<16xf32>,
      tpu.vector_store %arg8[%swap3A_131], %broadcast_in_dim3A_56 {strides = array<i32>} : memref<10240xf32, #tpu.memory_space<vmem>>, vector<16xf32>,
      %mul3A_133 = arith.constant 8 : i32
      %mul3A_134 = arith.muli %scan3A_101, %mul3A_133 : i32
      %add3A_135 = arith.constant 4 : i32
      %add3A_136 = arith.addi %mul3A_134, %add3A_135 : i32
      %mul3A_137 = arith.constant 16 : i32
      %mul3A_138 = arith.muli %add3A_136, %mul3A_137 : i32
      %swap3A_139 = arith.index_cast %mul3A_138 : i32 to index
      %swap3A_140 = tpu.vector_load %arg8[%swap3A_139] {strides = array<i32>} : memref<10240xf32, #tpu.memory_space<vmem>>, vector<16xf32>,
      tpu.vector_store %arg8[%swap3A_139], %broadcast_in_dim3A_56 {strides = array<i32>} : memref<10240xf32, #tpu.memory_space<vmem>>, vector<16xf32>,
      %mul3A_141 = arith.constant 8 : i32
      %mul3A_142 = arith.muli %scan3A_101, %mul3A_141 : i32
      %add3A_143 = arith.constant 5 : i32
      %add3A_144 = arith.addi %mul3A_142, %add3A_143 : i32
      %mul3A_145 = arith.constant 16 : i32
      %mul3A_146 = arith.muli %add3A_144, %mul3A_145 : i32
      %swap3A_147 = arith.index_cast %mul3A_146 : i32 to index
      %swap3A_148 = tpu.vector_load %arg8[%swap3A_147] {strides = array<i32>} : memref<10240xf32, #tpu.memory_space<vmem>>, vector<16xf32>,
      tpu.vector_store %arg8[%swap3A_147], %broadcast_in_dim3A_56 {strides = array<i32>} : memref<10240xf32, #tpu.memory_space<vmem>>, vector<16xf32>,
      %mul3A_149 = arith.constant 8 : i32
      %mul3A_150 = arith.muli %scan3A_101, %mul3A_149 : i32
      %add3A_151 = arith.constant 6 : i32
      %add3A_152 = arith.addi %mul3A_150, %add3A_151 : i32
      %mul3A_153 = arith.constant 16 : i32
      %mul3A_154 = arith.muli %add3A_152, %mul3A_153 : i32
      %swap3A_155 = arith.index_cast %mul3A_154 : i32 to index
      %swap3A_156 = tpu.vector_load %arg8[%swap3A_155] {strides = array<i32>} : memref<10240xf32, #tpu.memory_space<vmem>>, vector<16xf32>,
      tpu.vector_store %arg8[%swap3A_155], %broadcast_in_dim3A_56 {strides = array<i32>} : memref<10240xf32, #tpu.memory_space<vmem>>, vector<16xf32>,
      %mul3A_157 = arith.constant 8 : i32
      %mul3A_158 = arith.muli %scan3A_101, %mul3A_157 : i32
      %add3A_159 = arith.constant 7 : i32
      %add3A_160 = arith.addi %mul3A_158, %add3A_159 : i32
      %mul3A_161 = arith.constant 16 : i32
      %mul3A_162 = arith.muli %add3A_160, %mul3A_161 : i32
      %swap3A_163 = arith.index_cast %mul3A_162 : i32 to index
      %swap3A_164 = tpu.vector_load %arg8[%swap3A_163] {strides = array<i32>} : memref<10240xf32, #tpu.memory_space<vmem>>, vector<16xf32>,
      tpu.vector_store %arg8[%swap3A_163], %broadcast_in_dim3A_56 {strides = array<i32>} : memref<10240xf32, #tpu.memory_space<vmem>>, vector<16xf32>,
    }
    %scan3A_61 = arith.constant 80 : i32
    tpu.wait_dma2 semaphore(%arg9 : memref<!tpu.dma_semaphore, #tpu.memory_space<semaphore_mem>>) src(%arg2 : memref<10000xf32, #tpu.memory_space<hbm>>) dst(%arg5 : memref<10000xf32, #tpu.memory_space<vmem>>)
    %dma_wait3A = arith.constant 0 : i32
    %dma_wait3A_62 = arith.constant 0 : i32
    %dma_wait3A_63 = tpu.memref_slice %arg6[%dma_wait3A_62] : memref<10112xi32, #tpu.memory_space<vmem>> -> memref<4992xi32, #tpu.memory_space<vmem>>
    %dma_wait3A_64 = tpu.memref_slice %arg3[%dma_wait3A, %mul3A_10] : memref<2x320000xi32, #tpu.memory_space<hbm>> -> memref<1x4992xi32, #tpu.memory_space<hbm>>
    %dma_wait3A_65 = tpu.memref_squeeze %dma_wait3A_64 : memref<1x4992xi32, #tpu.memory_space<hbm>> -> memref<4992xi32, #tpu.memory_space<hbm>>
    %dma_wait3A_66 = arith.constant 0 : i32
    %dma_wait3A_67 = tpu.memref_slice %arg6[%dma_wait3A_66] : memref<10112xi32, #tpu.memory_space<vmem>> -> memref<4992xi32, #tpu.memory_space<vmem>>
    %dma_wait3A_68 = tpu.memref_slice %arg3[%dma_wait3A, %mul3A_10] : memref<2x320000xi32, #tpu.memory_space<hbm>> -> memref<1x4992xi32, #tpu.memory_space<hbm>>
    %dma_wait3A_69 = tpu.memref_squeeze %dma_wait3A_68 : memref<1x4992xi32, #tpu.memory_space<hbm>> -> memref<4992xi32, #tpu.memory_space<hbm>>
    tpu.wait_dma2 semaphore(%arg9 : memref<!tpu.dma_semaphore, #tpu.memory_space<semaphore_mem>>) src(%dma_wait3A_69 : memref<4992xi32, #tpu.memory_space<hbm>>) dst(%dma_wait3A_67 : memref<4992xi32, #tpu.memory_space<vmem>>)
    %dma_wait3A_70 = arith.constant 1 : i32
    %dma_wait3A_71 = arith.constant 0 : i32
    %dma_wait3A_72 = tpu.memref_slice %arg7[%dma_wait3A_71] : memref<10112xi32, #tpu.memory_space<vmem>> -> memref<4992xi32, #tpu.memory_space<vmem>>
    %dma_wait3A_73 = tpu.memref_slice %arg3[%dma_wait3A_70, %mul3A_20] : memref<2x320000xi32, #tpu.memory_space<hbm>> -> memref<1x4992xi32, #tpu.memory_space<hbm>>
    %dma_wait3A_74 = tpu.memref_squeeze %dma_wait3A_73 : memref<1x4992xi32, #tpu.memory_space<hbm>> -> memref<4992xi32, #tpu.memory_space<hbm>>
    %dma_wait3A_75 = arith.constant 0 : i32
    %dma_wait3A_76 = tpu.memref_slice %arg7[%dma_wait3A_75] : memref<10112xi32, #tpu.memory_space<vmem>> -> memref<4992xi32, #tpu.memory_space<vmem>>
    %dma_wait3A_77 = tpu.memref_slice %arg3[%dma_wait3A_70, %mul3A_20] : memref<2x320000xi32, #tpu.memory_space<hbm>> -> memref<1x4992xi32, #tpu.memory_space<hbm>>
    %dma_wait3A_78 = tpu.memref_squeeze %dma_wait3A_77 : memref<1x4992xi32, #tpu.memory_space<hbm>> -> memref<4992xi32, #tpu.memory_space<hbm>>
    tpu.wait_dma2 semaphore(%arg9 : memref<!tpu.dma_semaphore, #tpu.memory_space<semaphore_mem>>) src(%dma_wait3A_78 : memref<4992xi32, #tpu.memory_space<hbm>>) dst(%dma_wait3A_76 : memref<4992xi32, #tpu.memory_space<vmem>>)
    %parallel_loop3A = arith.constant 0 : i32
    %parallel_loop3A_79 = arith.constant 39 : i32
    %parallel_loop3A_80 = arith.constant 1 : i32
    scf.for %parallel_loop3A_101 = %parallel_loop3A to %parallel_loop3A_79 step %parallel_loop3A_80  : i32 {
      %parallel_loop3A_102 = arith.constant 128 : i32
      %parallel_loop3A_103 = arith.muli %parallel_loop3A_101, %parallel_loop3A_102 : i32
      %parallel_loop3A_104 = arith.constant 0 : i32
      %parallel_loop3A_105 = arith.addi %parallel_loop3A_103, %parallel_loop3A_104 : i32
      %parallel_loop3A_106 = arith.index_cast %parallel_loop3A_105 : i32 to index
      %parallel_loop3A_107 = tpu.vector_load %arg6[%parallel_loop3A_106] {strides = array<i32>} : memref<10112xi32, #tpu.memory_space<vmem>>, vector<16xi32>,
      %parallel_loop3A_108 = arith.constant 128 : i32
      %parallel_loop3A_109 = arith.muli %parallel_loop3A_101, %parallel_loop3A_108 : i32
      %parallel_loop3A_110 = arith.constant 0 : i32
      %parallel_loop3A_111 = arith.addi %parallel_loop3A_109, %parallel_loop3A_110 : i32
      %parallel_loop3A_112 = arith.index_cast %parallel_loop3A_111 : i32 to index
      %parallel_loop3A_113 = tpu.vector_load %arg7[%parallel_loop3A_112] {strides = array<i32>} : memref<10112xi32, #tpu.memory_space<vmem>>, vector<16xi32>,
      %parallel_loop3A_114 = tpu.vector_load_idx %arg5[%parallel_loop3A_107] : memref<10000xf32, #tpu.memory_space<vmem>>[vector<16xi32>], vector<16xf32>,
      tpu.vector_store_idx %arg8[%parallel_loop3A_113], %parallel_loop3A_114 {add = true} : memref<10240xf32, #tpu.memory_space<vmem>>[vector<16xi32>], vector<16xf32>,
      %parallel_loop3A_115 = arith.constant 128 : i32
      %parallel_loop3A_116 = arith.muli %parallel_loop3A_101, %parallel_loop3A_115 : i32
      %parallel_loop3A_117 = arith.constant 16 : i32
      %parallel_loop3A_118 = arith.addi %parallel_loop3A_116, %parallel_loop3A_117 : i32
      %parallel_loop3A_119 = arith.index_cast %parallel_loop3A_118 : i32 to index
      %parallel_loop3A_120 = tpu.vector_load %arg6[%parallel_loop3A_119] {strides = array<i32>} : memref<10112xi32, #tpu.memory_space<vmem>>, vector<16xi32>,
      %parallel_loop3A_121 = arith.constant 128 : i32
      %parallel_loop3A_122 = arith.muli %parallel_loop3A_101, %parallel_loop3A_121 : i32
      %parallel_loop3A_123 = arith.constant 16 : i32
      %parallel_loop3A_124 = arith.addi %parallel_loop3A_122, %parallel_loop3A_123 : i32
      %parallel_loop3A_125 = arith.index_cast %parallel_loop3A_124 : i32 to index
      %parallel_loop3A_126 = tpu.vector_load %arg7[%parallel_loop3A_125] {strides = array<i32>} : memref<10112xi32, #tpu.memory_space<vmem>>, vector<16xi32>,
      %parallel_loop3A_127 = tpu.vector_load_idx %arg5[%parallel_loop3A_120] : memref<10000xf32, #tpu.memory_space<vmem>>[vector<16xi32>], vector<16xf32>,
      tpu.vector_store_idx %arg8[%parallel_loop3A_126], %parallel_loop3A_127 {add = true} : memref<10240xf32, #tpu.memory_space<vmem>>[vector<16xi32>], vector<16xf32>,
      %parallel_loop3A_128 = arith.constant 128 : i32
      %parallel_loop3A_129 = arith.muli %parallel_loop3A_101, %parallel_loop3A_128 : i32
      %parallel_loop3A_130 = arith.constant 32 : i32
      %parallel_loop3A_131 = arith.addi %parallel_loop3A_129, %parallel_loop3A_130 : i32
      %parallel_loop3A_132 = arith.index_cast %parallel_loop3A_131 : i32 to index
      %parallel_loop3A_133 = tpu.vector_load %arg6[%parallel_loop3A_132] {strides = array<i32>} : memref<10112xi32, #tpu.memory_space<vmem>>, vector<16xi32>,
      %parallel_loop3A_134 = arith.constant 128 : i32
      %parallel_loop3A_135 = arith.muli %parallel_loop3A_101, %parallel_loop3A_134 : i32
      %parallel_loop3A_136 = arith.constant 32 : i32
      %parallel_loop3A_137 = arith.addi %parallel_loop3A_135, %parallel_loop3A_136 : i32
      %parallel_loop3A_138 = arith.index_cast %parallel_loop3A_137 : i32 to index
      %parallel_loop3A_139 = tpu.vector_load %arg7[%parallel_loop3A_138] {strides = array<i32>} : memref<10112xi32, #tpu.memory_space<vmem>>, vector<16xi32>,
      %parallel_loop3A_140 = tpu.vector_load_idx %arg5[%parallel_loop3A_133] : memref<10000xf32, #tpu.memory_space<vmem>>[vector<16xi32>], vector<16xf32>,
      tpu.vector_store_idx %arg8[%parallel_loop3A_139], %parallel_loop3A_140 {add = true} : memref<10240xf32, #tpu.memory_space<vmem>>[vector<16xi32>], vector<16xf32>,
      %parallel_loop3A_141 = arith.constant 128 : i32
      %parallel_loop3A_142 = arith.muli %parallel_loop3A_101, %parallel_loop3A_141 : i32
      %parallel_loop3A_143 = arith.constant 48 : i32
      %parallel_loop3A_144 = arith.addi %parallel_loop3A_142, %parallel_loop3A_143 : i32
      %parallel_loop3A_145 = arith.index_cast %parallel_loop3A_144 : i32 to index
      %parallel_loop3A_146 = tpu.vector_load %arg6[%parallel_loop3A_145] {strides = array<i32>} : memref<10112xi32, #tpu.memory_space<vmem>>, vector<16xi32>,
      %parallel_loop3A_147 = arith.constant 128 : i32
      %parallel_loop3A_148 = arith.muli %parallel_loop3A_101, %parallel_loop3A_147 : i32
      %parallel_loop3A_149 = arith.constant 48 : i32
      %parallel_loop3A_150 = arith.addi %parallel_loop3A_148, %parallel_loop3A_149 : i32
      %parallel_loop3A_151 = arith.index_cast %parallel_loop3A_150 : i32 to index
      %parallel_loop3A_152 = tpu.vector_load %arg7[%parallel_loop3A_151] {strides = array<i32>} : memref<10112xi32, #tpu.memory_space<vmem>>, vector<16xi32>,
      %parallel_loop3A_153 = tpu.vector_load_idx %arg5[%parallel_loop3A_146] : memref<10000xf32, #tpu.memory_space<vmem>>[vector<16xi32>], vector<16xf32>,
      tpu.vector_store_idx %arg8[%parallel_loop3A_152], %parallel_loop3A_153 {add = true} : memref<10240xf32, #tpu.memory_space<vmem>>[vector<16xi32>], vector<16xf32>,
      %parallel_loop3A_154 = arith.constant 128 : i32
      %parallel_loop3A_155 = arith.muli %parallel_loop3A_101, %parallel_loop3A_154 : i32
      %parallel_loop3A_156 = arith.constant 64 : i32
      %parallel_loop3A_157 = arith.addi %parallel_loop3A_155, %parallel_loop3A_156 : i32
      %parallel_loop3A_158 = arith.index_cast %parallel_loop3A_157 : i32 to index
      %parallel_loop3A_159 = tpu.vector_load %arg6[%parallel_loop3A_158] {strides = array<i32>} : memref<10112xi32, #tpu.memory_space<vmem>>, vector<16xi32>,
      %parallel_loop3A_160 = arith.constant 128 : i32
      %parallel_loop3A_161 = arith.muli %parallel_loop3A_101, %parallel_loop3A_160 : i32
      %parallel_loop3A_162 = arith.constant 64 : i32
      %parallel_loop3A_163 = arith.addi %parallel_loop3A_161, %parallel_loop3A_162 : i32
      %parallel_loop3A_164 = arith.index_cast %parallel_loop3A_163 : i32 to index
      %parallel_loop3A_165 = tpu.vector_load %arg7[%parallel_loop3A_164] {strides = array<i32>} : memref<10112xi32, #tpu.memory_space<vmem>>, vector<16xi32>,
      %parallel_loop3A_166 = tpu.vector_load_idx %arg5[%parallel_loop3A_159] : memref<10000xf32, #tpu.memory_space<vmem>>[vector<16xi32>], vector<16xf32>,
      tpu.vector_store_idx %arg8[%parallel_loop3A_165], %parallel_loop3A_166 {add = true} : memref<10240xf32, #tpu.memory_space<vmem>>[vector<16xi32>], vector<16xf32>,
      %parallel_loop3A_167 = arith.constant 128 : i32
      %parallel_loop3A_168 = arith.muli %parallel_loop3A_101, %parallel_loop3A_167 : i32
      %parallel_loop3A_169 = arith.constant 80 : i32
      %parallel_loop3A_170 = arith.addi %parallel_loop3A_168, %parallel_loop3A_169 : i32
      %parallel_loop3A_171 = arith.index_cast %parallel_loop3A_170 : i32 to index
      %parallel_loop3A_172 = tpu.vector_load %arg6[%parallel_loop3A_171] {strides = array<i32>} : memref<10112xi32, #tpu.memory_space<vmem>>, vector<16xi32>,
      %parallel_loop3A_173 = arith.constant 128 : i32
      %parallel_loop3A_174 = arith.muli %parallel_loop3A_101, %parallel_loop3A_173 : i32
      %parallel_loop3A_175 = arith.constant 80 : i32
      %parallel_loop3A_176 = arith.addi %parallel_loop3A_174, %parallel_loop3A_175 : i32
      %parallel_loop3A_177 = arith.index_cast %parallel_loop3A_176 : i32 to index
      %parallel_loop3A_178 = tpu.vector_load %arg7[%parallel_loop3A_177] {strides = array<i32>} : memref<10112xi32, #tpu.memory_space<vmem>>, vector<16xi32>,
      %parallel_loop3A_179 = tpu.vector_load_idx %arg5[%parallel_loop3A_172] : memref<10000xf32, #tpu.memory_space<vmem>>[vector<16xi32>], vector<16xf32>,
      tpu.vector_store_idx %arg8[%parallel_loop3A_178], %parallel_loop3A_179 {add = true} : memref<10240xf32, #tpu.memory_space<vmem>>[vector<16xi32>], vector<16xf32>,
      %parallel_loop3A_180 = arith.constant 128 : i32
      %parallel_loop3A_181 = arith.muli %parallel_loop3A_101, %parallel_loop3A_180 : i32
      %parallel_loop3A_182 = arith.constant 96 : i32
      %parallel_loop3A_183 = arith.addi %parallel_loop3A_181, %parallel_loop3A_182 : i32
      %parallel_loop3A_184 = arith.index_cast %parallel_loop3A_183 : i32 to index
      %parallel_loop3A_185 = tpu.vector_load %arg6[%parallel_loop3A_184] {strides = array<i32>} : memref<10112xi32, #tpu.memory_space<vmem>>, vector<16xi32>,
      %parallel_loop3A_186 = arith.constant 128 : i32
      %parallel_loop3A_187 = arith.muli %parallel_loop3A_101, %parallel_loop3A_186 : i32
      %parallel_loop3A_188 = arith.constant 96 : i32
      %parallel_loop3A_189 = arith.addi %parallel_loop3A_187, %parallel_loop3A_188 : i32
      %parallel_loop3A_190 = arith.index_cast %parallel_loop3A_189 : i32 to index
      %parallel_loop3A_191 = tpu.vector_load %arg7[%parallel_loop3A_190] {strides = array<i32>} : memref<10112xi32, #tpu.memory_space<vmem>>, vector<16xi32>,
      %parallel_loop3A_192 = tpu.vector_load_idx %arg5[%parallel_loop3A_185] : memref<10000xf32, #tpu.memory_space<vmem>>[vector<16xi32>], vector<16xf32>,
      tpu.vector_store_idx %arg8[%parallel_loop3A_191], %parallel_loop3A_192 {add = true} : memref<10240xf32, #tpu.memory_space<vmem>>[vector<16xi32>], vector<16xf32>,
      %parallel_loop3A_193 = arith.constant 128 : i32
      %parallel_loop3A_194 = arith.muli %parallel_loop3A_101, %parallel_loop3A_193 : i32
      %parallel_loop3A_195 = arith.constant 112 : i32
      %parallel_loop3A_196 = arith.addi %parallel_loop3A_194, %parallel_loop3A_195 : i32
      %parallel_loop3A_197 = arith.index_cast %parallel_loop3A_196 : i32 to index
      %parallel_loop3A_198 = tpu.vector_load %arg6[%parallel_loop3A_197] {strides = array<i32>} : memref<10112xi32, #tpu.memory_space<vmem>>, vector<16xi32>,
      %parallel_loop3A_199 = arith.constant 128 : i32
      %parallel_loop3A_200 = arith.muli %parallel_loop3A_101, %parallel_loop3A_199 : i32
      %parallel_loop3A_201 = arith.constant 112 : i32
      %parallel_loop3A_202 = arith.addi %parallel_loop3A_200, %parallel_loop3A_201 : i32
      %parallel_loop3A_203 = arith.index_cast %parallel_loop3A_202 : i32 to index
      %parallel_loop3A_204 = tpu.vector_load %arg7[%parallel_loop3A_203] {strides = array<i32>} : memref<10112xi32, #tpu.memory_space<vmem>>, vector<16xi32>,
      %parallel_loop3A_205 = tpu.vector_load_idx %arg5[%parallel_loop3A_198] : memref<10000xf32, #tpu.memory_space<vmem>>[vector<16xi32>], vector<16xf32>,
      tpu.vector_store_idx %arg8[%parallel_loop3A_204], %parallel_loop3A_205 {add = true} : memref<10240xf32, #tpu.memory_space<vmem>>[vector<16xi32>], vector<16xf32>,
    } {sc.loop_unroll_factor = 2 : i64, sc.parallel_access}
    %dma_wait3A_81 = arith.constant 0 : i32
    %dma_wait3A_82 = arith.constant 4992 : i32
    %dma_wait3A_83 = tpu.memref_slice %arg6[%dma_wait3A_82] : memref<10112xi32, #tpu.memory_space<vmem>> -> memref<5120xi32, #tpu.memory_space<vmem>>
    %dma_wait3A_84 = tpu.memref_slice %arg3[%dma_wait3A_81, %mul3A_33] : memref<2x320000xi32, #tpu.memory_space<hbm>> -> memref<1x5120xi32, #tpu.memory_space<hbm>>
    %dma_wait3A_85 = tpu.memref_squeeze %dma_wait3A_84 : memref<1x5120xi32, #tpu.memory_space<hbm>> -> memref<5120xi32, #tpu.memory_space<hbm>>
    %dma_wait3A_86 = arith.constant 4992 : i32
    %dma_wait3A_87 = tpu.memref_slice %arg6[%dma_wait3A_86] : memref<10112xi32, #tpu.memory_space<vmem>> -> memref<5120xi32, #tpu.memory_space<vmem>>
    %dma_wait3A_88 = tpu.memref_slice %arg3[%dma_wait3A_81, %mul3A_33] : memref<2x320000xi32, #tpu.memory_space<hbm>> -> memref<1x5120xi32, #tpu.memory_space<hbm>>
    %dma_wait3A_89 = tpu.memref_squeeze %dma_wait3A_88 : memref<1x5120xi32, #tpu.memory_space<hbm>> -> memref<5120xi32, #tpu.memory_space<hbm>>
    tpu.wait_dma2 semaphore(%arg9 : memref<!tpu.dma_semaphore, #tpu.memory_space<semaphore_mem>>) src(%dma_wait3A_89 : memref<5120xi32, #tpu.memory_space<hbm>>) dst(%dma_wait3A_87 : memref<5120xi32, #tpu.memory_space<vmem>>)
    %dma_wait3A_90 = arith.constant 1 : i32
    %dma_wait3A_91 = arith.constant 4992 : i32
    %dma_wait3A_92 = tpu.memref_slice %arg7[%dma_wait3A_91] : memref<10112xi32, #tpu.memory_space<vmem>> -> memref<5120xi32, #tpu.memory_space<vmem>>
    %dma_wait3A_93 = tpu.memref_slice %arg3[%dma_wait3A_90, %mul3A_46] : memref<2x320000xi32, #tpu.memory_space<hbm>> -> memref<1x5120xi32, #tpu.memory_space<hbm>>
    %dma_wait3A_94 = tpu.memref_squeeze %dma_wait3A_93 : memref<1x5120xi32, #tpu.memory_space<hbm>> -> memref<5120xi32, #tpu.memory_space<hbm>>
    %dma_wait3A_95 = arith.constant 4992 : i32
    %dma_wait3A_96 = tpu.memref_slice %arg7[%dma_wait3A_95] : memref<10112xi32, #tpu.memory_space<vmem>> -> memref<5120xi32, #tpu.memory_space<vmem>>
    %dma_wait3A_97 = tpu.memref_slice %arg3[%dma_wait3A_90, %mul3A_46] : memref<2x320000xi32, #tpu.memory_space<hbm>> -> memref<1x5120xi32, #tpu.memory_space<hbm>>
    %dma_wait3A_98 = tpu.memref_squeeze %dma_wait3A_97 : memref<1x5120xi32, #tpu.memory_space<hbm>> -> memref<5120xi32, #tpu.memory_space<hbm>>
    tpu.wait_dma2 semaphore(%arg9 : memref<!tpu.dma_semaphore, #tpu.memory_space<semaphore_mem>>) src(%dma_wait3A_98 : memref<5120xi32, #tpu.memory_space<hbm>>) dst(%dma_wait3A_96 : memref<5120xi32, #tpu.memory_space<vmem>>)
    %parallel_loop3A_99 = arith.constant 39 : i32
    %parallel_loop3A_100 = arith.constant 1 : i32
    scf.for %parallel_loop3A_101 = %parallel_loop3A_99 to %add3A_3 step %parallel_loop3A_100  : i32 {
      %parallel_loop3A_102 = arith.constant 128 : i32
      %parallel_loop3A_103 = arith.muli %parallel_loop3A_101, %parallel_loop3A_102 : i32
      %parallel_loop3A_104 = arith.constant 0 : i32
      %parallel_loop3A_105 = arith.addi %parallel_loop3A_103, %parallel_loop3A_104 : i32
      %parallel_loop3A_106 = arith.index_cast %parallel_loop3A_105 : i32 to index
      %parallel_loop3A_107 = tpu.vector_load %arg6[%parallel_loop3A_106] {strides = array<i32>} : memref<10112xi32, #tpu.memory_space<vmem>>, vector<16xi32>,
      %parallel_loop3A_108 = arith.constant 128 : i32
      %parallel_loop3A_109 = arith.muli %parallel_loop3A_101, %parallel_loop3A_108 : i32
      %parallel_loop3A_110 = arith.constant 0 : i32
      %parallel_loop3A_111 = arith.addi %parallel_loop3A_109, %parallel_loop3A_110 : i32
      %parallel_loop3A_112 = arith.index_cast %parallel_loop3A_111 : i32 to index
      %parallel_loop3A_113 = tpu.vector_load %arg7[%parallel_loop3A_112] {strides = array<i32>} : memref<10112xi32, #tpu.memory_space<vmem>>, vector<16xi32>,
      %parallel_loop3A_114 = tpu.vector_load_idx %arg5[%parallel_loop3A_107] : memref<10000xf32, #tpu.memory_space<vmem>>[vector<16xi32>], vector<16xf32>,
      tpu.vector_store_idx %arg8[%parallel_loop3A_113], %parallel_loop3A_114 {add = true} : memref<10240xf32, #tpu.memory_space<vmem>>[vector<16xi32>], vector<16xf32>,
      %parallel_loop3A_115 = arith.constant 128 : i32
      %parallel_loop3A_116 = arith.muli %parallel_loop3A_101, %parallel_loop3A_115 : i32
      %parallel_loop3A_117 = arith.constant 16 : i32
      %parallel_loop3A_118 = arith.addi %parallel_loop3A_116, %parallel_loop3A_117 : i32
      %parallel_loop3A_119 = arith.index_cast %parallel_loop3A_118 : i32 to index
      %parallel_loop3A_120 = tpu.vector_load %arg6[%parallel_loop3A_119] {strides = array<i32>} : memref<10112xi32, #tpu.memory_space<vmem>>, vector<16xi32>,
      %parallel_loop3A_121 = arith.constant 128 : i32
      %parallel_loop3A_122 = arith.muli %parallel_loop3A_101, %parallel_loop3A_121 : i32
      %parallel_loop3A_123 = arith.constant 16 : i32
      %parallel_loop3A_124 = arith.addi %parallel_loop3A_122, %parallel_loop3A_123 : i32
      %parallel_loop3A_125 = arith.index_cast %parallel_loop3A_124 : i32 to index
      %parallel_loop3A_126 = tpu.vector_load %arg7[%parallel_loop3A_125] {strides = array<i32>} : memref<10112xi32, #tpu.memory_space<vmem>>, vector<16xi32>,
      %parallel_loop3A_127 = tpu.vector_load_idx %arg5[%parallel_loop3A_120] : memref<10000xf32, #tpu.memory_space<vmem>>[vector<16xi32>], vector<16xf32>,
      tpu.vector_store_idx %arg8[%parallel_loop3A_126], %parallel_loop3A_127 {add = true} : memref<10240xf32, #tpu.memory_space<vmem>>[vector<16xi32>], vector<16xf32>,
      %parallel_loop3A_128 = arith.constant 128 : i32
      %parallel_loop3A_129 = arith.muli %parallel_loop3A_101, %parallel_loop3A_128 : i32
      %parallel_loop3A_130 = arith.constant 32 : i32
      %parallel_loop3A_131 = arith.addi %parallel_loop3A_129, %parallel_loop3A_130 : i32
      %parallel_loop3A_132 = arith.index_cast %parallel_loop3A_131 : i32 to index
      %parallel_loop3A_133 = tpu.vector_load %arg6[%parallel_loop3A_132] {strides = array<i32>} : memref<10112xi32, #tpu.memory_space<vmem>>, vector<16xi32>,
      %parallel_loop3A_134 = arith.constant 128 : i32
      %parallel_loop3A_135 = arith.muli %parallel_loop3A_101, %parallel_loop3A_134 : i32
      %parallel_loop3A_136 = arith.constant 32 : i32
      %parallel_loop3A_137 = arith.addi %parallel_loop3A_135, %parallel_loop3A_136 : i32
      %parallel_loop3A_138 = arith.index_cast %parallel_loop3A_137 : i32 to index
      %parallel_loop3A_139 = tpu.vector_load %arg7[%parallel_loop3A_138] {strides = array<i32>} : memref<10112xi32, #tpu.memory_space<vmem>>, vector<16xi32>,
      %parallel_loop3A_140 = tpu.vector_load_idx %arg5[%parallel_loop3A_133] : memref<10000xf32, #tpu.memory_space<vmem>>[vector<16xi32>], vector<16xf32>,
      tpu.vector_store_idx %arg8[%parallel_loop3A_139], %parallel_loop3A_140 {add = true} : memref<10240xf32, #tpu.memory_space<vmem>>[vector<16xi32>], vector<16xf32>,
      %parallel_loop3A_141 = arith.constant 128 : i32
      %parallel_loop3A_142 = arith.muli %parallel_loop3A_101, %parallel_loop3A_141 : i32
      %parallel_loop3A_143 = arith.constant 48 : i32
      %parallel_loop3A_144 = arith.addi %parallel_loop3A_142, %parallel_loop3A_143 : i32
      %parallel_loop3A_145 = arith.index_cast %parallel_loop3A_144 : i32 to index
      %parallel_loop3A_146 = tpu.vector_load %arg6[%parallel_loop3A_145] {strides = array<i32>} : memref<10112xi32, #tpu.memory_space<vmem>>, vector<16xi32>,
      %parallel_loop3A_147 = arith.constant 128 : i32
      %parallel_loop3A_148 = arith.muli %parallel_loop3A_101, %parallel_loop3A_147 : i32
      %parallel_loop3A_149 = arith.constant 48 : i32
      %parallel_loop3A_150 = arith.addi %parallel_loop3A_148, %parallel_loop3A_149 : i32
      %parallel_loop3A_151 = arith.index_cast %parallel_loop3A_150 : i32 to index
      %parallel_loop3A_152 = tpu.vector_load %arg7[%parallel_loop3A_151] {strides = array<i32>} : memref<10112xi32, #tpu.memory_space<vmem>>, vector<16xi32>,
      %parallel_loop3A_153 = tpu.vector_load_idx %arg5[%parallel_loop3A_146] : memref<10000xf32, #tpu.memory_space<vmem>>[vector<16xi32>], vector<16xf32>,
      tpu.vector_store_idx %arg8[%parallel_loop3A_152], %parallel_loop3A_153 {add = true} : memref<10240xf32, #tpu.memory_space<vmem>>[vector<16xi32>], vector<16xf32>,
      %parallel_loop3A_154 = arith.constant 128 : i32
      %parallel_loop3A_155 = arith.muli %parallel_loop3A_101, %parallel_loop3A_154 : i32
      %parallel_loop3A_156 = arith.constant 64 : i32
      %parallel_loop3A_157 = arith.addi %parallel_loop3A_155, %parallel_loop3A_156 : i32
      %parallel_loop3A_158 = arith.index_cast %parallel_loop3A_157 : i32 to index
      %parallel_loop3A_159 = tpu.vector_load %arg6[%parallel_loop3A_158] {strides = array<i32>} : memref<10112xi32, #tpu.memory_space<vmem>>, vector<16xi32>,
      %parallel_loop3A_160 = arith.constant 128 : i32
      %parallel_loop3A_161 = arith.muli %parallel_loop3A_101, %parallel_loop3A_160 : i32
      %parallel_loop3A_162 = arith.constant 64 : i32
      %parallel_loop3A_163 = arith.addi %parallel_loop3A_161, %parallel_loop3A_162 : i32
      %parallel_loop3A_164 = arith.index_cast %parallel_loop3A_163 : i32 to index
      %parallel_loop3A_165 = tpu.vector_load %arg7[%parallel_loop3A_164] {strides = array<i32>} : memref<10112xi32, #tpu.memory_space<vmem>>, vector<16xi32>,
      %parallel_loop3A_166 = tpu.vector_load_idx %arg5[%parallel_loop3A_159] : memref<10000xf32, #tpu.memory_space<vmem>>[vector<16xi32>], vector<16xf32>,
      tpu.vector_store_idx %arg8[%parallel_loop3A_165], %parallel_loop3A_166 {add = true} : memref<10240xf32, #tpu.memory_space<vmem>>[vector<16xi32>], vector<16xf32>,
      %parallel_loop3A_167 = arith.constant 128 : i32
      %parallel_loop3A_168 = arith.muli %parallel_loop3A_101, %parallel_loop3A_167 : i32
      %parallel_loop3A_169 = arith.constant 80 : i32
      %parallel_loop3A_170 = arith.addi %parallel_loop3A_168, %parallel_loop3A_169 : i32
      %parallel_loop3A_171 = arith.index_cast %parallel_loop3A_170 : i32 to index
      %parallel_loop3A_172 = tpu.vector_load %arg6[%parallel_loop3A_171] {strides = array<i32>} : memref<10112xi32, #tpu.memory_space<vmem>>, vector<16xi32>,
      %parallel_loop3A_173 = arith.constant 128 : i32
      %parallel_loop3A_174 = arith.muli %parallel_loop3A_101, %parallel_loop3A_173 : i32
      %parallel_loop3A_175 = arith.constant 80 : i32
      %parallel_loop3A_176 = arith.addi %parallel_loop3A_174, %parallel_loop3A_175 : i32
      %parallel_loop3A_177 = arith.index_cast %parallel_loop3A_176 : i32 to index
      %parallel_loop3A_178 = tpu.vector_load %arg7[%parallel_loop3A_177] {strides = array<i32>} : memref<10112xi32, #tpu.memory_space<vmem>>, vector<16xi32>,
      %parallel_loop3A_179 = tpu.vector_load_idx %arg5[%parallel_loop3A_172] : memref<10000xf32, #tpu.memory_space<vmem>>[vector<16xi32>], vector<16xf32>,
      tpu.vector_store_idx %arg8[%parallel_loop3A_178], %parallel_loop3A_179 {add = true} : memref<10240xf32, #tpu.memory_space<vmem>>[vector<16xi32>], vector<16xf32>,
      %parallel_loop3A_180 = arith.constant 128 : i32
      %parallel_loop3A_181 = arith.muli %parallel_loop3A_101, %parallel_loop3A_180 : i32
      %parallel_loop3A_182 = arith.constant 96 : i32
      %parallel_loop3A_183 = arith.addi %parallel_loop3A_181, %parallel_loop3A_182 : i32
      %parallel_loop3A_184 = arith.index_cast %parallel_loop3A_183 : i32 to index
      %parallel_loop3A_185 = tpu.vector_load %arg6[%parallel_loop3A_184] {strides = array<i32>} : memref<10112xi32, #tpu.memory_space<vmem>>, vector<16xi32>,
      %parallel_loop3A_186 = arith.constant 128 : i32
      %parallel_loop3A_187 = arith.muli %parallel_loop3A_101, %parallel_loop3A_186 : i32
      %parallel_loop3A_188 = arith.constant 96 : i32
      %parallel_loop3A_189 = arith.addi %parallel_loop3A_187, %parallel_loop3A_188 : i32
      %parallel_loop3A_190 = arith.index_cast %parallel_loop3A_189 : i32 to index
      %parallel_loop3A_191 = tpu.vector_load %arg7[%parallel_loop3A_190] {strides = array<i32>} : memref<10112xi32, #tpu.memory_space<vmem>>, vector<16xi32>,
      %parallel_loop3A_192 = tpu.vector_load_idx %arg5[%parallel_loop3A_185] : memref<10000xf32, #tpu.memory_space<vmem>>[vector<16xi32>], vector<16xf32>,
      tpu.vector_store_idx %arg8[%parallel_loop3A_191], %parallel_loop3A_192 {add = true} : memref<10240xf32, #tpu.memory_space<vmem>>[vector<16xi32>], vector<16xf32>,
      %parallel_loop3A_193 = arith.constant 128 : i32
      %parallel_loop3A_194 = arith.muli %parallel_loop3A_101, %parallel_loop3A_193 : i32
      %parallel_loop3A_195 = arith.constant 112 : i32
      %parallel_loop3A_196 = arith.addi %parallel_loop3A_194, %parallel_loop3A_195 : i32
      %parallel_loop3A_197 = arith.index_cast %parallel_loop3A_196 : i32 to index
      %parallel_loop3A_198 = tpu.vector_load %arg6[%parallel_loop3A_197] {strides = array<i32>} : memref<10112xi32, #tpu.memory_space<vmem>>, vector<16xi32>,
      %parallel_loop3A_199 = arith.constant 128 : i32
      %parallel_loop3A_200 = arith.muli %parallel_loop3A_101, %parallel_loop3A_199 : i32
      %parallel_loop3A_201 = arith.constant 112 : i32
      %parallel_loop3A_202 = arith.addi %parallel_loop3A_200, %parallel_loop3A_201 : i32
      %parallel_loop3A_203 = arith.index_cast %parallel_loop3A_202 : i32 to index
      %parallel_loop3A_204 = tpu.vector_load %arg7[%parallel_loop3A_203] {strides = array<i32>} : memref<10112xi32, #tpu.memory_space<vmem>>, vector<16xi32>,
      %parallel_loop3A_205 = tpu.vector_load_idx %arg5[%parallel_loop3A_198] : memref<10000xf32, #tpu.memory_space<vmem>>[vector<16xi32>], vector<16xf32>,
      tpu.vector_store_idx %arg8[%parallel_loop3A_204], %parallel_loop3A_205 {add = true} : memref<10240xf32, #tpu.memory_space<vmem>>[vector<16xi32>], vector<16xf32>,
    } {sc.loop_unroll_factor = 2 : i64, sc.parallel_access}
    "tpu.region"() ({
      %run_scoped3A = tpu.sem_alloc : memref<!tpu.dma_semaphore, #tpu.memory_space<semaphore_mem>>
      %dma_start3A_101 = arith.constant 0 : i32
      %dma_start3A_102 = tpu.memref_slice %arg4[%add3A, %dma_start3A_101] : memref<32x10240xf32, #tpu.memory_space<hbm>> -> memref<1x10240xf32, #tpu.memory_space<hbm>>
      %dma_start3A_103 = tpu.memref_squeeze %dma_start3A_102 : memref<1x10240xf32, #tpu.memory_space<hbm>> -> memref<10240xf32, #tpu.memory_space<hbm>>
      %dma_start3A_104 = arith.constant 0 : i32
      %dma_start3A_105 = tpu.memref_slice %arg4[%add3A, %dma_start3A_104] : memref<32x10240xf32, #tpu.memory_space<hbm>> -> memref<1x10240xf32, #tpu.memory_space<hbm>>
      %dma_start3A_106 = tpu.memref_squeeze %dma_start3A_105 : memref<1x10240xf32, #tpu.memory_space<hbm>> -> memref<10240xf32, #tpu.memory_space<hbm>>
      tpu.enqueue_dma source(%arg8 : memref<10240xf32, #tpu.memory_space<vmem>>) target(%dma_start3A_106 : memref<10240xf32, #tpu.memory_space<hbm>>) target_semaphore(%run_scoped3A : memref<!tpu.dma_semaphore, #tpu.memory_space<semaphore_mem>>)
      %dma_wait3A_107 = arith.constant 0 : i32
      %dma_wait3A_108 = tpu.memref_slice %arg4[%add3A, %dma_wait3A_107] : memref<32x10240xf32, #tpu.memory_space<hbm>> -> memref<1x10240xf32, #tpu.memory_space<hbm>>
      %dma_wait3A_109 = tpu.memref_squeeze %dma_wait3A_108 : memref<1x10240xf32, #tpu.memory_space<hbm>> -> memref<10240xf32, #tpu.memory_space<hbm>>
      %dma_wait3A_110 = arith.constant 0 : i32
      %dma_wait3A_111 = tpu.memref_slice %arg4[%add3A, %dma_wait3A_110] : memref<32x10240xf32, #tpu.memory_space<hbm>> -> memref<1x10240xf32, #tpu.memory_space<hbm>>
      %dma_wait3A_112 = tpu.memref_squeeze %dma_wait3A_111 : memref<1x10240xf32, #tpu.memory_space<hbm>> -> memref<10240xf32, #tpu.memory_space<hbm>>
      tpu.wait_dma2 semaphore(%run_scoped3A : memref<!tpu.dma_semaphore, #tpu.memory_space<semaphore_mem>>) src(%arg8 : memref<10240xf32, #tpu.memory_space<vmem>>) dst(%dma_wait3A_112 : memref<10240xf32, #tpu.memory_space<hbm>>)
      tpu.yield
    }) : () -> ()
    return
  }
}

module attributes {stable_mosaic.version = 14 : i64} {
  func.func @_matvec_body(%arg0: memref<10000x128xf32, #tpu.memory_space<vmem>>, %arg1: memref<1x128xf32, #tpu.memory_space<vmem>>, %arg2: memref<1x128xf32, #tpu.memory_space<vmem>>, %arg3: memref<10000xf32, #tpu.memory_space<vmem>>, %arg4: memref<10000xf32, #tpu.memory_space<vmem>>) attributes {dimension_semantics = [], scalar_prefetch = 0 : i64, scratch_operands = 0 : i64, tpu.core_type = #tpu.core_type<tc>} {
    %get3A = arith.constant 0 : index
    %get3A_0 = arith.constant 0 : index
    %get3A_1 = vector.load %arg1[%get3A, %get3A_0] : memref<1x128xf32, #tpu.memory_space<vmem>>, vector<1x128xf32>
    %get3A_2 = arith.constant 0 : index
    %get3A_3 = arith.constant 0 : index
    %get3A_4 = vector.load %arg2[%get3A_2, %get3A_3] : memref<1x128xf32, #tpu.memory_space<vmem>>, vector<1x128xf32>
    %concatenate3A = tpu.concatenate %get3A_1, %get3A_4 in 0 : vector<1x128xf32>, vector<1x128xf32> -> vector<2x128xf32>
    %transpose3A = tpu.transpose %concatenate3A, [1, 0] : vector<2x128xf32> -> vector<128x2xf32>
    %get3A_5 = arith.constant 0 : index
    %get3A_6 = arith.constant 0 : index
    %get3A_7 = vector.load %arg0[%get3A_5, %get3A_6] : memref<10000x128xf32, #tpu.memory_space<vmem>>, vector<10000x128xf32>
    %dot_general3A = arith.constant dense<0.000000e+00> : vector<10000x2xf32>
    %dot_general3A_8 = tpu.matmul %get3A_7, %transpose3A, %dot_general3A {dimension_numbers = #tpu.dot_dimension_numbers<[1], [0], [0], [1], [0, 0, 1, 1], [], []>, transpose_lhs_hint = false} : vector<10000x128xf32>, vector<128x2xf32>, vector<10000x2xf32> -> vector<10000x2xf32>
    %transpose3A_9 = tpu.transpose %dot_general3A_8, [1, 0] : vector<10000x2xf32> -> vector<2x10000xf32>
    %slice3A = vector.extract_strided_slice %transpose3A_9 {offsets = [0, 0], sizes = [1, 10000], strides = [1, 1]} : vector<2x10000xf32> to vector<1x10000xf32>
    %squeeze3A = vector.shape_cast %slice3A : vector<1x10000xf32> to vector<10000xf32>
    %swap3A = arith.constant 0 : index
    %swap3A_10 = vector.load %arg3[%swap3A] : memref<10000xf32, #tpu.memory_space<vmem>>, vector<10000xf32>
    tpu.vector_store %arg3[%swap3A], %squeeze3A {strides = array<i32>} : memref<10000xf32, #tpu.memory_space<vmem>>, vector<10000xf32>,
    %slice3A_11 = vector.extract_strided_slice %transpose3A_9 {offsets = [1, 0], sizes = [1, 10000], strides = [1, 1]} : vector<2x10000xf32> to vector<1x10000xf32>
    %squeeze3A_12 = vector.shape_cast %slice3A_11 : vector<1x10000xf32> to vector<10000xf32>
    %swap3A_13 = arith.constant 0 : index
    %swap3A_14 = vector.load %arg4[%swap3A_13] : memref<10000xf32, #tpu.memory_space<vmem>>, vector<10000xf32>
    tpu.vector_store %arg4[%swap3A_13], %squeeze3A_12 {strides = array<i32>} : memref<10000xf32, #tpu.memory_space<vmem>>, vector<10000xf32>,
    return
  }
}

module attributes {stable_mosaic.version = 14 : i64} {
  func.func @_pool_body(%arg0: memref<10000x128xf32, #tpu.memory_space<vmem>>, %arg1: memref<10000xi32, #tpu.memory_space<vmem>>, %arg2: memref<32x10240xf32, #tpu.memory_space<vmem>>, %arg3: memref<10000xf32, #tpu.memory_space<vmem>>, %arg4: memref<1x1xf32, #tpu.memory_space<vmem>>, %arg5: memref<64x128xf32, #tpu.memory_space<vmem>>) attributes {dimension_semantics = [], scalar_prefetch = 0 : i64, scratch_operands = 0 : i64, tpu.core_type = #tpu.core_type<tc>} {
    %get3A = arith.constant 0 : index
    %get3A_0 = arith.constant 0 : index
    %get3A_1 = vector.load %arg2[%get3A, %get3A_0] : memref<32x10240xf32, #tpu.memory_space<vmem>>, vector<32x10240xf32>
    %reduce_sum3A = arith.constant dense<0.000000e+00> : vector<10240xf32>
    %reduce_sum3A_2 = vector.multi_reduction <add>, %get3A_1, %reduce_sum3A [0] : vector<32x10240xf32> to vector<10240xf32>
    %broadcast_in_dim3A = vector.shape_cast %reduce_sum3A_2 : vector<10240xf32> to vector<1x10240xf32>
    %slice3A = vector.extract_strided_slice %broadcast_in_dim3A {offsets = [0, 0], sizes = [1, 10000], strides = [1, 1]} : vector<1x10240xf32> to vector<1x10000xf32>
    %get3A_3 = arith.constant 0 : index
    %get3A_4 = arith.constant 0 : index
    %get3A_5 = vector.load %arg4[%get3A_3, %get3A_4] : memref<1x1xf32, #tpu.memory_space<vmem>>, vector<1x1xf32>
    %get3A_6 = vector.extract %get3A_5[0, 0] : f32 from vector<1x1xf32>
    %add3A = vector.broadcast %get3A_6 : f32 to vector<1x10000xf32>
    %add3A_7 = arith.addf %slice3A, %add3A : vector<1x10000xf32>
    %get3A_8 = arith.constant 0 : index
    %get3A_9 = vector.load %arg3[%get3A_8] : memref<10000xf32, #tpu.memory_space<vmem>>, vector<10000xf32>
    %reshape3A = vector.shape_cast %get3A_9 : vector<10000xf32> to vector<1x10000xf32>
    %add3A_10 = arith.addf %add3A_7, %reshape3A : vector<1x10000xf32>
    %iota3A = tpu.iota {dimensions = array<i32: 0>} : vector<64x1xi32>
    %get3A_11 = arith.constant 0 : index
    %get3A_12 = vector.load %arg1[%get3A_11] : memref<10000xi32, #tpu.memory_space<vmem>>, vector<10000xi32>
    %reshape3A_13 = vector.shape_cast %get3A_12 : vector<10000xi32> to vector<1x10000xi32>
    %eq3A = vector.broadcast %reshape3A_13 : vector<1x10000xi32> to vector<64x10000xi32>
    %eq3A_14 = vector.broadcast %iota3A : vector<64x1xi32> to vector<64x10000xi32>
    %eq3A_15 = arith.cmpi eq, %eq3A, %eq3A_14 : vector<64x10000xi32>
    %jit3A = arith.constant 0xFF800000 : f32
    %broadcast_in_dim3A_16 = vector.shape_cast %add3A_10 : vector<1x10000xf32> to vector<1x10000xf32>
    %broadcast_in_dim3A_17 = vector.broadcast %broadcast_in_dim3A_16 : vector<1x10000xf32> to vector<64x10000xf32>
    %broadcast_in_dim3A_18 = vector.broadcast %jit3A : f32 to vector<64x10000xf32>
    %select_n3A = arith.select %eq3A_15, %broadcast_in_dim3A_17, %broadcast_in_dim3A_18 : vector<64x10000xi1>, vector<64x10000xf32>
    %reduce_max3A = arith.constant dense<0xFF800000> : vector<64xf32>
    %reduce_max3A_19 = vector.multi_reduction <maximumf>, %select_n3A, %reduce_max3A [1] : vector<64x10000xf32> to vector<64xf32>
    %broadcast_in_dim3A_20 = vector.shape_cast %reduce_max3A_19 : vector<64xf32> to vector<64x1xf32>
    %is_finite3A = tpu.weird %broadcast_in_dim3A_20 : vector<64x1xf32> -> vector<64x1xi1>
    %is_finite3A_21 = arith.constant dense<true> : vector<64x1xi1>
    %is_finite3A_22 = arith.xori %is_finite3A, %is_finite3A_21 : vector<64x1xi1>
    %jit3A_23 = arith.constant 0.000000e+00 : f32
    %broadcast_in_dim3A_24 = vector.broadcast %jit3A_23 : f32 to vector<64x1xf32>
    %select_n3A_25 = arith.select %is_finite3A_22, %broadcast_in_dim3A_20, %broadcast_in_dim3A_24 : vector<64x1xi1>, vector<64x1xf32>
    %convert_element_type3A = arith.extui %eq3A_15 : vector<64x10000xi1> to vector<64x10000xi32>
    %convert_element_type3A_26 = arith.sitofp %convert_element_type3A : vector<64x10000xi32> to vector<64x10000xf32>
    %reshape3A_27 = vector.shape_cast %select_n3A_25 : vector<64x1xf32> to vector<1x64xf32>
    %dot_general3A = arith.constant dense<0.000000e+00> : vector<1x10000xf32>
    %dot_general3A_28 = tpu.matmul %reshape3A_27, %convert_element_type3A_26, %dot_general3A {dimension_numbers = #tpu.dot_dimension_numbers<[1], [0], [0], [1], [0, 0, 1, 1], [], []>, precision = #tpu.contract_precision<fp32>, transpose_lhs_hint = false} : vector<1x64xf32>, vector<64x10000xf32>, vector<1x10000xf32> -> vector<1x10000xf32>
    %sub3A = arith.subf %add3A_10, %dot_general3A_28 : vector<1x10000xf32>
    %exp3A = math.exp %sub3A : vector<1x10000xf32>
    %mul3A = vector.broadcast %exp3A : vector<1x10000xf32> to vector<64x10000xf32>
    %mul3A_29 = arith.mulf %convert_element_type3A_26, %mul3A : vector<64x10000xf32>
    %reduce_sum3A_30 = arith.constant dense<0.000000e+00> : vector<64xf32>
    %reduce_sum3A_31 = vector.multi_reduction <add>, %mul3A_29, %reduce_sum3A_30 [1] : vector<64x10000xf32> to vector<64xf32>
    %broadcast_in_dim3A_32 = vector.shape_cast %reduce_sum3A_31 : vector<64xf32> to vector<64x1xf32>
    %reshape3A_33 = vector.shape_cast %broadcast_in_dim3A_32 : vector<64x1xf32> to vector<1x64xf32>
    %dot_general3A_34 = arith.constant dense<0.000000e+00> : vector<1x10000xf32>
    %dot_general3A_35 = tpu.matmul %reshape3A_33, %convert_element_type3A_26, %dot_general3A_34 {dimension_numbers = #tpu.dot_dimension_numbers<[1], [0], [0], [1], [0, 0, 1, 1], [], []>, precision = #tpu.contract_precision<fp32>, transpose_lhs_hint = false} : vector<1x64xf32>, vector<64x10000xf32>, vector<1x10000xf32> -> vector<1x10000xf32>
    %add3A_36 = arith.constant 1.000000e-16 : f32
    %add3A_37 = vector.broadcast %add3A_36 : f32 to vector<1x10000xf32>
    %add3A_38 = arith.addf %dot_general3A_35, %add3A_37 : vector<1x10000xf32>
    %div3A = arith.divf %exp3A, %add3A_38 : vector<1x10000xf32>
    %mul3A_39 = vector.broadcast %div3A : vector<1x10000xf32> to vector<64x10000xf32>
    %mul3A_40 = arith.mulf %convert_element_type3A_26, %mul3A_39 : vector<64x10000xf32>
    %get3A_41 = arith.constant 0 : index
    %get3A_42 = arith.constant 0 : index
    %get3A_43 = vector.load %arg0[%get3A_41, %get3A_42] : memref<10000x128xf32, #tpu.memory_space<vmem>>, vector<10000x128xf32>
    %dot_general3A_44 = arith.constant dense<0.000000e+00> : vector<64x128xf32>
    %dot_general3A_45 = tpu.matmul %mul3A_40, %get3A_43, %dot_general3A_44 {dimension_numbers = #tpu.dot_dimension_numbers<[1], [0], [0], [1], [0, 0, 1, 1], [], []>, transpose_lhs_hint = false} : vector<64x10000xf32>, vector<10000x128xf32>, vector<64x128xf32> -> vector<64x128xf32>
    %swap3A = arith.constant 0 : index
    %swap3A_46 = arith.constant 0 : index
    %swap3A_47 = vector.load %arg5[%swap3A, %swap3A_46] : memref<64x128xf32, #tpu.memory_space<vmem>>, vector<64x128xf32>
    tpu.vector_store %arg5[%swap3A, %swap3A_46], %dot_general3A_45 {strides = array<i32>} : memref<64x128xf32, #tpu.memory_space<vmem>>, vector<64x128xf32>,
    return
  }
}

</mosaic_0001>

<sc_bundles>
// kernel: kernel.5.cloned.1.call-start
scs
__scs_entry_jumppad:
0x0: {  	(pc) =	sbr.rel $0x88, $3  }
0x1: {  	(tag) =	ssettag $0x0;
	lr =	simm.s32 $0x1  }
0x2: {  	[smem:$0x3F9B] =	sst lr;
	_ =	strace $0xD0000000  }
0x3: {  	_ = 	snop  }
0x4: {  	_ = 	snop  }
0x5: {  	_ = 	snop  }
0x6: {  	_ = 	snop  }
0x7: {  	_ = 	snop  }
__scs_overlays_trampoline_lowered:
0x8: {  	[smem:$0x3FAA] =	sst s0  }
0x9: {  	[smem:$0x3FAB] =	sst s1  }
0xa: {  	[smem:$0x3FAC] =	sst s2  }
0xb: {  	[smem:$0x3FAD] =	sst s3  }
0xc: {  	[smem:$0x3FAE] =	sst s4  }
0xd: {  	[smem:$0x3FAF] =	sst s5  }
0xe: {  	[smem:$0x3FB0] =	sst s6  }
0xf: {  	[smem:$0x3FB1] =	sst s7  }
0x10: {  	[smem:$0x3FB2] =	sst s8  }
0x11: {  	[smem:$0x3FB3] =	sst s9;
	s0 =	simm.s32 @!p0 $0x0  }
0x12: {  	s1 =	sld [smem:$0x3F99];
	s0 =	simm.s32 @p0 $0x1  }
0x13: {  	[smem:$0x3FB4] =	sst s0;
	s0 =	simm.s32 @!p1 $0x0  }
0x14: {  	s2 =	sld [smem:$0x3F98];
	s0 =	simm.s32 @p1 $0x1  }
0x15: {  	[smem:$0x3FB5] =	sst s0;
	s0 =	simm.s32 @!p2 $0x0  }
0x16: {  	s3 =	sld [smem:$0x3FDB];
	s0 =	simm.s32 @p2 $0x1  }
0x17: {  	s4 =	simm.s32 $0x1BF5;
	[smem:$0x3FB7] =	sst s0  }
0x18: {  	s0 =	sld [smem:$0x3F9A];
	_ =	swait.ge [sflag:s4], $0x0  }
0x19: {  	s7 =	sld [smem:$0x3F9B]  }
0x1a: {  	s8 =	sadd.s32 $0xFFFFE003, lr  }
0x1b: {  	s9 =	sadd.s32 $0xFFFFFEF7, lr;
	s5 =	simm.s32 $0xFFFFFFFF;
	p2 =	slt.u32 s8, $0xFFFFF086  }
0x1c: {  	p1 =	slt.u32 s9, $0xF7A;
	s5 =	simm.s32 @!p2 $0x0  }
0x1d: {  	s5 =	simm.s32 @p1 $0x1;
	p0 =	seq.s32 s7, s2  }
0x1e: {  	s7 =	smul.u32 @!p0 $0xF7A, s2;
	p2 =	seq.s32 @!p0 s5, $0x0  }
0x1f: {  	s9 =	smul.u32 $0xF7A, s1;
	s8 =	simm.s32 @!p0 $0x1BF5;
	p2 =	por !p2, p0  }
0x20: {  	[sflag:s8] =	ssyncset.s32 @!p0 $0xFFFFF086;
	s6 =	sadd.s32 @!p0 s3, s7;
	s7 =	simm.s32 @!p0 $0x108  }
0x21: {  	s3 =	sadd.s32 s3, s9;
	s6 =	sadd.s32 @!p0 $0x88, s6;
	s7 =	simm.s32 @p2 $0x1082  }
0x22: {  	[simem:s7], [sflag:s8] =	dma.local @!p0 [hbm:s6], $0xF7A  }
0x23: {  	s9 =	sor.u32 $0xD0000000, s2;
	s6 =	simm.s32 $0x108;
	_ =	swait.ge @!p0 [sflag:s8], $0x0  }
0x24: {  	s3 =	sadd.s32 $0x88, s3;
	s6 =	simm.s32 @!p1 $0x1082;
	[sflag:s4] =	ssyncset.s32 $0xFFFFF086  }
0x25: {  	[simem:s6], [sflag:s4] =	dma.local [hbm:s3], $0xF7A  }
0x26: {  	[smem:$0x3F9B] =	sst s1;
	(tag) =	ssettag s2;
	_ =	strace s9  }
0x27: {  	s1 =	sld [smem:$0x3FAB]  }
0x28: {  	s2 =	sld [smem:$0x3FAC]  }
0x29: {  	s4 =	sld [smem:$0x3FAE]  }
0x2a: {  	p0 =	seq.s32 s5, $0x0;
	s5 =	sld [smem:$0x3FAF]  }
0x2b: {  	s6 =	sld [smem:$0x3FB0]  }
0x2c: {  	s7 =	sld [smem:$0x3FB1]  }
0x2d: {  	s3 =	simm.s32 $0x108;
	s8 =	sld [smem:$0x3FB2]  }
0x2e: {  	s3 =	simm.s32 @!p0 $0x1082;
	s9 =	sld [smem:$0x3FB3]  }
0x2f: {  	lr =	sadd.s32 s0, s3;
	s0 =	sld [smem:$0x3FAA]  }
0x30: {  	s3 =	sld [smem:$0x3FAD]  }
0x31: {  	[smem:$0x3FB6] =	sst s10  }
0x32: {  	s10 =	sld [smem:$0x3FB4];
	_ =	sdelay $0x3  }
0x33: {  	p0 =	seq.s32 s10, $0x1;
	s10 =	sld [smem:$0x3FB6];
	_ =	sdelay $0x3  }
0x34: {  	[smem:$0x3FB6] =	sst s10  }
0x35: {  	s10 =	sld [smem:$0x3FB5];
	_ =	sdelay $0x3  }
0x36: {  	p1 =	seq.s32 s10, $0x1;
	s10 =	sld [smem:$0x3FB6];
	_ =	sdelay $0x3  }
0x37: {  	[smem:$0x3FB6] =	sst s10  }
0x38: {  	s10 =	sld [smem:$0x3FB7]  }
0x39: {  	_ = 	snop;
	(pc) =	sbr.ind lr, $3  }
0x3a: {  	_ = 	snop  }
0x3b: {  	_ = 	snop  }
0x3c: {  	p2 =	seq.s32 s10, $0x1;
	s10 =	sld [smem:$0x3FB6]  }
0x3d: {  	_ =	shalt  }
0x3e: {  	_ =	shalt  }
0x3f: {  	_ =	shalt  }
0x40: {  	_ =	shalt  }
0x41: {  	_ =	shalt  }
0x42: {  	_ =	shalt  }
0x43: {  	_ =	shalt  }
0x44: {  	_ =	shalt  }
0x45: {  	_ =	shalt  }
0x46: {  	_ =	shalt  }
0x47: {  	_ =	shalt  }
0x48: {  	_ =	shalt  }
0x49: {  	_ =	shalt  }
0x4a: {  	_ =	shalt  }
0x4b: {  	_ =	shalt  }
0x4c: {  	_ =	shalt  }
0x4d: {  	_ =	shalt  }
0x4e: {  	_ =	shalt  }
0x4f: {  	_ =	shalt  }
0x50: {  	_ =	shalt  }
0x51: {  	_ =	shalt  }
0x52: {  	_ =	shalt  }
0x53: {  	_ =	shalt  }
0x54: {  	_ =	shalt  }
0x55: {  	_ =	shalt  }
0x56: {  	_ =	shalt  }
0x57: {  	_ =	shalt  }
0x58: {  	_ =	shalt  }
0x59: {  	_ =	shalt  }
0x5a: {  	_ =	shalt  }
0x5b: {  	_ =	shalt  }
0x5c: {  	_ =	shalt  }
0x5d: {  	_ =	shalt  }
0x5e: {  	_ =	shalt  }
0x5f: {  	_ =	shalt  }
0x60: {  	_ =	shalt  }
0x61: {  	_ =	shalt  }
0x62: {  	_ =	shalt  }
0x63: {  	_ =	shalt  }
0x64: {  	_ =	shalt  }
0x65: {  	_ =	shalt  }
0x66: {  	_ =	shalt  }
0x67: {  	_ =	shalt  }
0x68: {  	_ =	shalt  }
0x69: {  	_ =	shalt  }
0x6a: {  	_ =	shalt  }
0x6b: {  	_ =	shalt  }
0x6c: {  	_ =	shalt  }
0x6d: {  	_ =	shalt  }
0x6e: {  	_ =	shalt  }
0x6f: {  	_ =	shalt  }
0x70: {  	_ =	shalt  }
0x71: {  	_ =	shalt  }
0x72: {  	_ =	shalt  }
0x73: {  	_ =	shalt  }
0x74: {  	_ =	shalt  }
0x75: {  	_ =	shalt  }
0x76: {  	_ =	shalt  }
0x77: {  	_ =	shalt  }
0x78: {  	_ =	shalt  }
0x79: {  	_ =	shalt  }
0x7a: {  	_ =	shalt  }
0x7b: {  	_ =	shalt  }
0x7c: {  	_ =	shalt  }
0x7d: {  	_ =	shalt  }
0x7e: {  	_ =	shalt  }
0x7f: {  	_ =	shalt  }
0x80: {  	_ =	shalt  }
0x81: {  	_ =	shalt  }
0x82: {  	_ =	shalt  }
0x83: {  	_ =	shalt  }
0x84: {  	_ =	shalt  }
0x85: {  	_ =	shalt  }
0x86: {  	_ =	shalt  }
0x87: {  	_ =	shalt  }
.Lfunc_end0:
.L_simem_size_0:
called_computation_lowered:
.L_overlay_start_0:
0x88: {  	s2 =	sld [smem:$0x3FD9]  }
0x89: {  	s3 =	sld [smem:$0x3FFE];
	_ =	sdelay $0x1  }
0x8a: {  	s1 =	srdreg.scid  }
0x8b: {  	s0 =	sand.u32 $0x1, s1  }
0x8c: {  	s17 =	sshll.u32 s0, $0xA;
	s2 =	sadd.s32 s3, s2  }
0x8d: {  	s2 =	sadd.s32 s2, s17  }
0x8e: {  	[smem:$0x3FC2] =	sst s2  }
0x8f: {  	_ = 	snop  }
0x90: {  	s2 =	sld [smem:$0x3FC8];
	(tm) =	ssettm $0x1  }
0x91: {  	s18 =	sld [smem:$0x3FFB];
	_ =	sdelay $0x3  }
0x92: {  	_ =	strace s18  }
0x93: {  	s3 =	sld [smem:$0x3FFC];
	_ =	sdelay $0x3  }
0x94: {  	_ =	strace s3  }
0x95: {  	s3 =	sld [smem:$0x3FFD];
	_ =	sdelay $0x3  }
0x96: {  	_ =	strace s3  }
0x97: {  	_ =	strace $0x8FFFFFFF  }
0x98: {  	s19 =	sld [smem:$0x3FDB];
	_ =	sdelay $0x1  }
0x99: {  	s4 =	simm.s32 $_scs_section_size  }
0x9a: {  	s5 =	simm.s32 $_size__tile_overlayer_lowered;
	s6 =	simm.s32 $_tile_overlayer_lowered  }
0x9b: {  	s22 =	simm.s32 $0x1BFF;
	s21 =	sshll.u32 s6, $0x1;
	s3 =	sadd.s32 s4, s19  }
0x9c: {  	s7 =	simm.s32 $0x0;
	s20 =	sshll.u32 s5, $0x1;
	s5 =	sadd.s32 s21, s3  }
0x9d: {  	[timem:s7], [sflag:s22] =	dma.local [hbm:s5], s20  }
0x9e: {  	_ =	swait.ge [sflag:s22], s20  }
0x9f: {  	s4 =	ssub.s32 $0x0, s20;
	[sflag:s22] =	ssyncset.done $0x0  }
0xa0: {  	[sflag:s22] =	ssyncadd.s32 s4;
	_ =	sdelay $0x1  }
0xa1: {  	s23 =	simm.s32 $0x1B8B  }
0xa2: {  	_ =	swait.ge [sflag:s23], $0x1  }
0xa3: {  	[sflag:s23] =	ssyncset.done $0x0  }
0xa4: {  	s25 =	simm.s32 $0x1B8E;
	s24 =	sld [smem:$0x3FFE];
	[sflag:s23] =	ssyncadd.s32 $0xFFFFFFFF  }
0xa5: {  	s26 =	simm.s32 $execute0_lowered;
	[smem:$0x3FD2] =	sst s25  }
0xa6: {  	s5 =	sshll.u32 s26, $0x1;
	_ =	strace $0x80000046;
	[dreg:$0x1] =	wrdreg $0xFFFFFFFF  }
0xa7: {  	s28 =	simm.s32 $_size_execute0_lowered;
	s3 =	sadd.s32 s3, s5;
	[dreg:$0x0] =	wrdreg $0x0  }
0xa8: {  	s5 =	sshll.u32 s28, $0x1;
	[dreg:$0x2] =	wrdreg s3  }
0xa9: {  	[dreg:$0x3] =	wrdreg s5  }
0xaa: {  	[dreg:$0x4] =	wrdreg $0xC0  }
0xab: {  	_ =	task [dreg:s7], $0x5FFFF  }
0xac: {  	[dreg:$0x1] =	wrdreg $0xFFFFFFFF  }
0xad: {  	[dreg:$0x0] =	wrdreg $0x60  }
0xae: {  	[dreg:$0x2] =	wrdreg s24  }
0xaf: {  	[dreg:$0x3] =	wrdreg s2  }
0xb0: {  	[dreg:$0x4] =	wrdreg $0x9  }
0xb1: {  	_ =	task.clear_ibuf [dreg:s7], $0x5FFFF;
	_ =	strace $0x90000046  }
0xb2: {  	s29 =	simm.s32 $0x9;
	_ =	strace $0x80000048  }
0xb3: {  	_ =	swait.ge [sflag:s29], $0x1  }
0xb4: {  	[sflag:s29] =	ssyncadd.s32 $0xFFFFFFFF  }
0xb5: {  	_ =	strace $0x90000048  }
0xb6: {  	_ =	sfence  }
0xb7: {  	s30 =	sld [smem:$0x0];
	_ =	sdelay $0x2  }
0xb8: {  	s31 =	sshll.u32 s1, $0xD;
	s1 =	sshrl.u32 s1, $0x2  }
0xb9: {  	s3 =	sand.u32 $0x4000, s31;
	s1 =	sadd.s32 s1, s30  }
0xba: {  	s0 =	sor.u32 s3, s0;
	s1 =	sshll.u32 s1, $0x11  }
0xbb: {  	s0 =	sor.u32 s1, s0  }
0xbc: {  	s0 =	sadd.s32 $0x8F2B, s0  }
0xbd: {  	[sflag:s0] =	ssyncadd.remote.s32 $0x1  }
0xbe: {  	_ =	sfence.sel $0xFFFF  }
0xbf: {  	[dreg:$0x0] =	wrdreg $0xFFFFFFFF;
	(pc) =	sbr.abs _section_cstart, $3  }
0xc0: {  	[dreg:$0x1] =	wrdreg $0xFFFFFFFF  }
0xc1: {  	_ =	task.clear_ibuf [dreg:s7], $0x2FFFF;
	_ =	strace $0x9FFFFFFF  }
0xc2: {  	(tm) =	ssettm $0x7FFFFFFF  }
0xc3: {  	_ =	shalt  }
tec
execute0_lowered:
.L_overlay_start_1:
0x0: {  	(tag) =	ssettag $0x1  }
0x1: {  	s0 =	rddreg [dreg:$0x0]  }
0x2: {  	s5 =	rddreg [dreg:$0x1]  }
0x3: {  	s2 =	srdreg.scid;
	s1 =	stileid.u32  }
0x4: {  	s14 =	simm.s32 $0x80;
	s15 =	simm.s32 $0x100;
	s16 =	simm.s32 $0x2780  }
0x5: {  	s17 =	simm.s32 $0x4F00;
	s18 =	simm.s32 $0x3B00;
	s19 =	simm.s32 $0x6280  }
0x6: {  	s20 =	simm.s32 $0x1;
	s21 =	simm.s32 $0x7680;
	s4 =	sand.u32 $0x1, s2  }
0x7: {  	s3 =	sshll.u32 s1, $0x1;
	s2 =	simm.s32 $0x0;
	s22 =	sshrl.u32 s1, $0x2  }
0x8: {  	p0 =	sgt.u32 s1, $0xD;
	s6 =	sor.u32 s4, s3;
	[smem:$0x7FF] =	sst s2  }
0x9: {  	s7 =	smul.u32 $0x14000, s22;
	s3 =	sadd.s32 $0x1A00, s0;
	s24 =	ssub.s32 $0x2, s4  }
0xa: {  	s4 =	simm.s32 $0x4F;
	s22 =	simm.s32 $0x400;
	s23 =	sshll.u32 s6, $0x7  }
0xb: {  	_ =	strace $0x80000047;
	s9 =	smul.u32 $0x4E, s6;
	s6 =	smax.u32 s6, $0x1C  }
0xc: {  	s26 =	sshrl.u32 s24, $0x1;
	s4 =	simm.s32 @!p0 $0x4E;
	s8 =	sand.u32 $0x380, s23  }
0xd: {  	s11 =	ssub.s32 s24, s26;
	s10 =	sadd.s32 $0x19, s4;
	s23 =	simm.s32 $0x2  }
0xe: {  	s24 =	simm.s32 $0x0;
	s7 =	sor.u32 s7, s8;
	s25 =	sadd.s32 s9, s6  }
0xf: {  	s30 =	sand.u32 $0x2E, s10;
	s12 =	sshll.u32 s10, $0x7;
	s11 =	smax.u32 s11, $0x1  }
.Ltmp0:
0x10: {  	s7 =	sshrl.u32 s7, $0x3;
	s28 =	sshll.u32 s25, $0x5;
	(pc) =	sbr.rel .LBB2_1-.Ltmp0, $4  }
0x11: {  	s9 =	sadd.s32 $0x27, s30;
	s31 =	sand.u32 $0x1700, s12;
	s0 =	sadd.s32 s7, s0  }
0x12: {  	s29 =	sadd.s32 s5, s28;
	s12 =	sadd.s32 $0x3B70, s31;
	s13 =	sadd.s32 $0x62F0, s31  }
0x13: {  	p0 =	sge.u32 s9, s4;
	s5 =	sadd.s32 $0xFFFFFC80, s29;
	s6 =	sadd.s32 $0xFFFFFC90, s29  }
0x14: {  	v0 =	vimm.f32 $0.0e+00;
	s7 =	sadd.s32 $0x160, s29;
	s8 =	sadd.s32 $0x170, s29;
	s10 =	sadd.s32 $0x2000, s0  }
.LBB2_15:
0x15: {  	s24 =	sadd.s32 $0x1, s24  }
0x16: {  	p1 =	sne.s32 s24, s11  }
.Ltmp1:
0x17: {  	_ = 	snop;
	(pc) =	sbr.rel @!p1 .LBB2_16-.Ltmp1, $4  }
0x18: {  	[hbm4b:s10+s14] =	stream.strided.scatter [tilespmem:s21], [sflag:$0x2], $0x2800, s22, s14, $0x38;
	[tilespmem:$0x9E80] =	vst v63  }
0x19: {  	_ =	swait.ge [sflag:s23], $0x2800  }
0x1a: {  	[sflag:s23] =	ssyncset.done $0x0  }
0x1b: {  	[sflag:s23] =	ssyncadd.s32 $0xFFFFD800  }
.LBB2_1:
0x1c: {  	[tilespmem:s2], [sflag:$0x1] =	stream.linear.gather [hbm4b:s3+s2], $0x2780, $0x38;
	[tilespmem:$0x9E80] =	vst v63  }
0x1d: {  	_ = 	snop  }
0x1e: {  	[tilespmem:s16], [sflag:$0x1] =	stream.strided.gather [hbm4b:s5+s14], $0x1380, s15, s14, $0x38;
	[tilespmem:$0x9E80] =	vst v63  }
0x1f: {  	_ = 	snop  }
0x20: {  	[tilespmem:s17], [sflag:$0x1] =	stream.strided.gather [hbm4b:s6+s14], $0x1380, s15, s14, $0x38;
	[tilespmem:$0x9E80] =	vst v63  }
0x21: {  	_ = 	snop  }
0x22: {  	[tilespmem:s18], [sflag:$0x1] =	stream.strided.gather [hbm4b:s7+s14], $0x1400, s15, s14, $0x38;
	[tilespmem:$0x9E80] =	vst v63  }
0x23: {  	s0 =	simm.s32 $0x0;
	s25 =	simm.s32 $0x200  }
0x24: {  	[tilespmem:s19], [sflag:$0x1] =	stream.strided.gather [hbm4b:s8+s14], $0x1400, s15, s14, $0x38;
	[tilespmem:$0x9E80] =	vst v63  }
.LBB2_2:
0x25: {  	p1 =	sne.s32 s25, $0x9E00;
	[tilespmem:s0+$0x76F0] =	vst v0  }
0x26: {  	[tilespmem:s0+$0x7680] =	vst v0  }
0x27: {  	[tilespmem:s0+$0x7690] =	vst v0  }
.Ltmp2:
0x28: {  	[tilespmem:s0+$0x76A0] =	vst v0;
	(pc) =	sbr.rel @p1 .LBB2_2-.Ltmp2, $4  }
0x29: {  	[tilespmem:s0+$0x76B0] =	vst v0  }
0x2a: {  	[tilespmem:s0+$0x76C0] =	vst v0  }
0x2b: {  	[tilespmem:s0+$0x76D0] =	vst v0  }
0x2c: {  	[tilespmem:s0+$0x76E0] =	vst v0;
	s0 =	sshra.s32 s25, $0x2;
	s25 =	sadd.s32 $0x200, s25  }
0x2d: {  	[tilespmem:s0+$0x76F0] =	vst v0  }
0x2e: {  	[tilespmem:s0+$0x7680] =	vst v0  }
0x2f: {  	[tilespmem:s0+$0x7690] =	vst v0  }
0x30: {  	[tilespmem:s0+$0x76A0] =	vst v0  }
0x31: {  	[tilespmem:s0+$0x76B0] =	vst v0  }
0x32: {  	[tilespmem:s0+$0x76C0] =	vst v0  }
0x33: {  	[tilespmem:s0+$0x76D0] =	vst v0  }
0x34: {  	[tilespmem:s0+$0x76E0] =	vst v0  }
0x35: {  	_ =	swait.ge [sflag:s20], $0x2780  }
0x36: {  	[sflag:s20] =	ssyncset.done $0x0  }
0x37: {  	[sflag:s20] =	ssyncadd.s32 $0xFFFFD880  }
0x38: {  	_ =	swait.ge [sflag:s20], $0x1380  }
0x39: {  	[sflag:s20] =	ssyncset.done $0x0  }
0x3a: {  	[sflag:s20] =	ssyncadd.s32 $0xFFFFEC80  }
0x3b: {  	_ =	swait.ge [sflag:s20], $0x1380  }
0x3c: {  	[sflag:s20] =	ssyncset.done $0x0  }
0x3d: {  	s30 =	simm.s32 $0x2800;
	[sflag:s20] =	ssyncadd.s32 $0xFFFFEC80  }
0x3e: {  	v1 =	vld [tilespmem:s30+$0x0];
	_ =	sdelay $0x3  }
0x3f: {  	s0 =	simm.s32 $0x4F80  }
0x40: {  	v2 =	vld [tilespmem:s0+$0x0]  }
0x41: {  	v3 =	vld [tilespmem:s30+$0xFFFFFF80];
	_ =	sdelay $0x1  }
0x42: {  	v1 =	vld.idx.msk [tilespmem:v1+s2+$0x0], $0xffff;
	_ =	sdelay $0x3  }
0x43: {  	v4 =	vld [tilespmem:s0+$0xFFFFFF80]  }
0x44: {  	[tilespmem:v2+s21+$0x0] =	vst.idx.add.f32.msk $0xffff, v1  }
0x45: {  	v2 =	vld.idx.msk [tilespmem:v3+s2+$0x0], $0xffff  }
0x46: {  	v1 =	vld [tilespmem:s30+$0x10];
	_ =	sdelay $0x3  }
0x47: {  	v3 =	vld [tilespmem:s0+$0x10]  }
0x48: {  	[tilespmem:v4+s21+$0x0] =	vst.idx.add.f32.msk $0xffff, v2  }
0x49: {  	v2 =	vld [tilespmem:s30+$0xFFFFFF90];
	_ =	sdelay $0x1  }
0x4a: {  	v1 =	vld.idx.msk [tilespmem:v1+s2+$0x0], $0xffff;
	_ =	sdelay $0x3  }
0x4b: {  	v4 =	vld [tilespmem:s0+$0xFFFFFF90]  }
0x4c: {  	[tilespmem:v3+s21+$0x0] =	vst.idx.add.f32.msk $0xffff, v1  }
0x4d: {  	v2 =	vld.idx.msk [tilespmem:v2+s2+$0x0], $0xffff  }
0x4e: {  	v1 =	vld [tilespmem:s30+$0x20];
	_ =	sdelay $0x3  }
0x4f: {  	v3 =	vld [tilespmem:s0+$0x20]  }
0x50: {  	[tilespmem:v4+s21+$0x0] =	vst.idx.add.f32.msk $0xffff, v2  }
0x51: {  	v2 =	vld [tilespmem:s30+$0xFFFFFFA0];
	_ =	sdelay $0x1  }
0x52: {  	v1 =	vld.idx.msk [tilespmem:v1+s2+$0x0], $0xffff;
	_ =	sdelay $0x3  }
0x53: {  	v4 =	vld [tilespmem:s0+$0xFFFFFFA0]  }
0x54: {  	[tilespmem:v3+s21+$0x0] =	vst.idx.add.f32.msk $0xffff, v1  }
0x55: {  	v2 =	vld.idx.msk [tilespmem:v2+s2+$0x0], $0xffff  }
0x56: {  	v1 =	vld [tilespmem:s30+$0x30];
	_ =	sdelay $0x3  }
0x57: {  	v3 =	vld [tilespmem:s0+$0x30]  }
0x58: {  	[tilespmem:v4+s21+$0x0] =	vst.idx.add.f32.msk $0xffff, v2  }
0x59: {  	v2 =	vld [tilespmem:s30+$0xFFFFFFB0];
	_ =	sdelay $0x1  }
0x5a: {  	v1 =	vld.idx.msk [tilespmem:v1+s2+$0x0], $0xffff;
	_ =	sdelay $0x2  }
0x5b: {  	v4 =	vld [tilespmem:s0+$0xFFFFFFB0];
	_ =	sdelay $0x1  }
0x5c: {  	[tilespmem:v3+s21+$0x0] =	vst.idx.add.f32.msk $0xffff, v1  }
0x5d: {  	s25 =	simm.s32 $0x2900;
	v2 =	vld.idx.msk [tilespmem:v2+s2+$0x0], $0xffff  }
0x5e: {  	v3 =	vld [tilespmem:s25+$0x0]  }
0x5f: {  	v1 =	vld [tilespmem:s30+$0x40];
	_ =	sdelay $0x2  }
0x60: {  	s26 =	simm.s32 $0x5080;
	[tilespmem:v4+s21+$0x0] =	vst.idx.add.f32.msk $0xffff, v2  }
0x61: {  	v2 =	vld [tilespmem:s26+$0x0]  }
0x62: {  	v5 =	vld [tilespmem:s0+$0x40]  }
0x63: {  	v6 =	vld [tilespmem:s25+$0xFFFFFF80]  }
0x64: {  	v3 =	vld.idx.msk [tilespmem:v3+s2+$0x0], $0xffff  }
0x65: {  	v1 =	vld.idx.msk [tilespmem:v1+s2+$0x0], $0xffff;
	_ =	sdelay $0x2  }
0x66: {  	v7 =	vld [tilespmem:s26+$0xFFFFFF80]  }
0x67: {  	[tilespmem:v2+s21+$0x0] =	vst.idx.add.f32.msk $0xffff, v3  }
0x68: {  	[tilespmem:v5+s21+$0x0] =	vst.idx.add.f32.msk $0xffff, v1  }
0x69: {  	v5 =	vld.idx.msk [tilespmem:v6+s2+$0x0], $0xffff  }
0x6a: {  	v2 =	vld [tilespmem:s25+$0x10]  }
0x6b: {  	v1 =	vld [tilespmem:s30+$0x50]  }
0x6c: {  	v4 =	vld [tilespmem:s30+$0xFFFFFFC0];
	_ =	sdelay $0x1  }
0x6d: {  	[tilespmem:v7+s21+$0x0] =	vst.idx.add.f32.msk $0xffff, v5  }
0x6e: {  	v7 =	vld [tilespmem:s26+$0x10]  }
0x6f: {  	v3 =	vld [tilespmem:s0+$0x50]  }
0x70: {  	v6 =	vld [tilespmem:s0+$0xFFFFFFC0]  }
0x71: {  	v2 =	vld.idx.msk [tilespmem:v2+s2+$0x0], $0xffff  }
0x72: {  	v1 =	vld.idx.msk [tilespmem:v1+s2+$0x0], $0xffff  }
0x73: {  	v4 =	vld.idx.msk [tilespmem:v4+s2+$0x0], $0xffff  }
0x74: {  	v5 =	vld [tilespmem:s25+$0xFFFFFF90]  }
0x75: {  	v8 =	vld [tilespmem:s26+$0xFFFFFF90]  }
0x76: {  	[tilespmem:v7+s21+$0x0] =	vst.idx.add.f32.msk $0xffff, v2  }
0x77: {  	[tilespmem:v3+s21+$0x0] =	vst.idx.add.f32.msk $0xffff, v1  }
0x78: {  	v2 =	vld [tilespmem:s25+$0x20]  }
0x79: {  	v1 =	vld [tilespmem:s30+$0x60]  }
0x7a: {  	[tilespmem:v6+s21+$0x0] =	vst.idx.add.f32.msk $0xffff, v4  }
0x7b: {  	v4 =	vld [tilespmem:s30+$0xFFFFFFD0]  }
0x7c: {  	v3 =	vld.idx.msk [tilespmem:v5+s2+$0x0], $0xffff  }
0x7d: {  	v6 =	vld [tilespmem:s26+$0x20]  }
0x7e: {  	v5 =	vld [tilespmem:s0+$0x60]  }
0x7f: {  	v7 =	vld [tilespmem:s0+$0xFFFFFFD0]  }
0x80: {  	v2 =	vld.idx.msk [tilespmem:v2+s2+$0x0], $0xffff  }
0x81: {  	v1 =	vld.idx.msk [tilespmem:v1+s2+$0x0], $0xffff  }
0x82: {  	[tilespmem:v8+s21+$0x0] =	vst.idx.add.f32.msk $0xffff, v3  }
0x83: {  	v3 =	vld [tilespmem:s25+$0xFFFFFFA0]  }
0x84: {  	v4 =	vld.idx.msk [tilespmem:v4+s2+$0x0], $0xffff  }
0x85: {  	[tilespmem:v6+s21+$0x0] =	vst.idx.add.f32.msk $0xffff, v2  }
0x86: {  	[tilespmem:v5+s21+$0x0] =	vst.idx.add.f32.msk $0xffff, v1  }
0x87: {  	v2 =	vld [tilespmem:s25+$0x30]  }
0x88: {  	v5 =	vld [tilespmem:s26+$0xFFFFFFA0]  }
0x89: {  	v1 =	vld [tilespmem:s30+$0x70]  }
0x8a: {  	[tilespmem:v7+s21+$0x0] =	vst.idx.add.f32.msk $0xffff, v4  }
0x8b: {  	v3 =	vld.idx.msk [tilespmem:v3+s2+$0x0], $0xffff  }
0x8c: {  	v7 =	vld [tilespmem:s26+$0x30]  }
0x8d: {  	v6 =	vld [tilespmem:s30+$0xFFFFFFE0]  }
0x8e: {  	v4 =	vld [tilespmem:s0+$0x70]  }
0x8f: {  	v2 =	vld.idx.msk [tilespmem:v2+s2+$0x0], $0xffff  }
0x90: {  	[tilespmem:v5+s21+$0x0] =	vst.idx.add.f32.msk $0xffff, v3  }
0x91: {  	v1 =	vld.idx.msk [tilespmem:v1+s2+$0x0], $0xffff  }
0x92: {  	v3 =	vld [tilespmem:s25+$0xFFFFFFB0]  }
0x93: {  	v5 =	vld [tilespmem:s26+$0xFFFFFFB0]  }
0x94: {  	[tilespmem:v7+s21+$0x0] =	vst.idx.add.f32.msk $0xffff, v2  }
0x95: {  	s28 =	simm.s32 $0x2A00;
	v2 =	vld.idx.msk [tilespmem:v6+s2+$0x0], $0xffff  }
0x96: {  	v7 =	vld [tilespmem:s28+$0xFFFFFF80]  }
0x97: {  	[tilespmem:v4+s21+$0x0] =	vst.idx.add.f32.msk $0xffff, v1  }
0x98: {  	v1 =	vld [tilespmem:s25+$0x40]  }
0x99: {  	v6 =	vld [tilespmem:s28+$0x0]  }
0x9a: {  	v3 =	vld.idx.msk [tilespmem:v3+s2+$0x0], $0xffff  }
0x9b: {  	s29 =	simm.s32 $0x5180;
	v4 =	vld [tilespmem:s0+$0xFFFFFFE0]  }
0x9c: {  	v9 =	vld [tilespmem:s29+$0xFFFFFF80]  }
0x9d: {  	v8 =	vld [tilespmem:s26+$0x40]  }
0x9e: {  	v7 =	vld.idx.msk [tilespmem:v7+s2+$0x0], $0xffff  }
0x9f: {  	[tilespmem:v5+s21+$0x0] =	vst.idx.add.f32.msk $0xffff, v3  }
0xa0: {  	v1 =	vld.idx.msk [tilespmem:v1+s2+$0x0], $0xffff  }
0xa1: {  	v5 =	vld [tilespmem:s29+$0x0]  }
0xa2: {  	v6 =	vld.idx.msk [tilespmem:v6+s2+$0x0], $0xffff  }
0xa3: {  	[tilespmem:v4+s21+$0x0] =	vst.idx.add.f32.msk $0xffff, v2  }
0xa4: {  	v3 =	vld [tilespmem:s25+$0xFFFFFFC0]  }
0xa5: {  	[tilespmem:v9+s21+$0x0] =	vst.idx.add.f32.msk $0xffff, v7  }
0xa6: {  	[tilespmem:v8+s21+$0x0] =	vst.idx.add.f32.msk $0xffff, v1  }
0xa7: {  	v1 =	vld [tilespmem:s25+$0x50]  }
0xa8: {  	v8 =	vld [tilespmem:s26+$0xFFFFFFC0]  }
0xa9: {  	[tilespmem:v5+s21+$0x0] =	vst.idx.add.f32.msk $0xffff, v6  }
0xaa: {  	v5 =	vld [tilespmem:s28+$0x10]  }
0xab: {  	v6 =	vld [tilespmem:s26+$0x50]  }
0xac: {  	v3 =	vld.idx.msk [tilespmem:v3+s2+$0x0], $0xffff  }
0xad: {  	v7 =	vld [tilespmem:s28+$0xFFFFFF90]  }
0xae: {  	v9 =	vld [tilespmem:s29+$0xFFFFFF90]  }
0xaf: {  	v1 =	vld.idx.msk [tilespmem:v1+s2+$0x0], $0xffff  }
0xb0: {  	v10 =	vld [tilespmem:s29+$0x10]  }
0xb1: {  	[tilespmem:v8+s21+$0x0] =	vst.idx.add.f32.msk $0xffff, v3  }
0xb2: {  	v3 =	vld.idx.msk [tilespmem:v5+s2+$0x0], $0xffff  }
0xb3: {  	v5 =	vld [tilespmem:s25+$0xFFFFFFD0]  }
0xb4: {  	[tilespmem:v6+s21+$0x0] =	vst.idx.add.f32.msk $0xffff, v1  }
0xb5: {  	v6 =	vld.idx.msk [tilespmem:v7+s2+$0x0], $0xffff  }
0xb6: {  	v1 =	vld [tilespmem:s25+$0x60]  }
0xb7: {  	v7 =	vld [tilespmem:s26+$0xFFFFFFD0]  }
0xb8: {  	[tilespmem:v10+s21+$0x0] =	vst.idx.add.f32.msk $0xffff, v3  }
0xb9: {  	v3 =	vld [tilespmem:s28+$0x20]  }
0xba: {  	v2 =	vld [tilespmem:s26+$0x60]  }
0xbb: {  	[tilespmem:v9+s21+$0x0] =	vst.idx.add.f32.msk $0xffff, v6  }
0xbc: {  	v4 =	vld [tilespmem:s28+$0xFFFFFFA0]  }
0xbd: {  	v6 =	vld [tilespmem:s29+$0x20]  }
0xbe: {  	v1 =	vld.idx.msk [tilespmem:v1+s2+$0x0], $0xffff  }
0xbf: {  	v9 =	vld [tilespmem:s30+$0xFFFFFFF0]  }
0xc0: {  	v8 =	vld [tilespmem:s29+$0xFFFFFFA0]  }
0xc1: {  	v3 =	vld.idx.msk [tilespmem:v3+s2+$0x0], $0xffff  }
0xc2: {  	v5 =	vld.idx.msk [tilespmem:v5+s2+$0x0], $0xffff  }
0xc3: {  	[tilespmem:v2+s21+$0x0] =	vst.idx.add.f32.msk $0xffff, v1  }
0xc4: {  	v2 =	vld.idx.msk [tilespmem:v4+s2+$0x0], $0xffff  }
0xc5: {  	v1 =	vld [tilespmem:s25+$0x70]  }
0xc6: {  	[tilespmem:v6+s21+$0x0] =	vst.idx.add.f32.msk $0xffff, v3  }
0xc7: {  	v3 =	vld [tilespmem:s28+$0x30]  }
0xc8: {  	[tilespmem:v7+s21+$0x0] =	vst.idx.add.f32.msk $0xffff, v5  }
0xc9: {  	v5 =	vld [tilespmem:s25+$0xFFFFFFE0]  }
0xca: {  	v4 =	vld [tilespmem:s26+$0x70]  }
0xcb: {  	v7 =	vld [tilespmem:s29+$0x30]  }
0xcc: {  	[tilespmem:v8+s21+$0x0] =	vst.idx.add.f32.msk $0xffff, v2  }
0xcd: {  	v1 =	vld.idx.msk [tilespmem:v1+s2+$0x0], $0xffff  }
0xce: {  	v8 =	vld [tilespmem:s28+$0xFFFFFFB0]  }
0xcf: {  	v10 =	vld.idx.msk [tilespmem:v3+s2+$0x0], $0xffff  }
0xd0: {  	v6 =	vld [tilespmem:s29+$0xFFFFFFB0]  }
0xd1: {  	v2 =	vld.idx.msk [tilespmem:v5+s2+$0x0], $0xffff  }
0xd2: {  	[tilespmem:v4+s21+$0x0] =	vst.idx.add.f32.msk $0xffff, v1  }
0xd3: {  	v4 =	vld.idx.msk [tilespmem:v9+s2+$0x0], $0xffff  }
0xd4: {  	[tilespmem:v7+s21+$0x0] =	vst.idx.add.f32.msk $0xffff, v10  }
0xd5: {  	v7 =	vld [tilespmem:s28+$0x40]  }
0xd6: {  	v5 =	vld [tilespmem:s0+$0xFFFFFFF0]  }
0xd7: {  	v8 =	vld.idx.msk [tilespmem:v8+s2+$0x0], $0xffff  }
0xd8: {  	s31 =	simm.s32 $0x2B00;
	s30 =	simm.s32 $0x4;
	s0 =	simm.s32 $0x5180;
	v3 =	vld [tilespmem:s26+$0xFFFFFFE0]  }
.LBB2_4:
0xd9: {  	v9 =	vld [tilespmem:s31+$0x0];
	s30 =	sadd.s32 $0x2, s30;
	v1 =	vmov v4  }
0xda: {  	v4 =	vld [tilespmem:s31+$0xFFFFFF80];
	p1 =	slt.u32 s30, $0x24  }
0xdb: {  	v10 =	vld [tilespmem:s29+$0x40]  }
0xdc: {  	[tilespmem:v6+s21+$0x0] =	vst.idx.add.f32.msk $0xffff, v8;
	v11 =	vmov v5  }
0xdd: {  	v5 =	vld.idx.msk [tilespmem:v7+s2+$0x0], $0xffff  }
0xde: {  	s29 =	sadd.s32 $0x100, s29;
	v6 =	vld [tilespmem:s28+$0xFFFFFFC0]  }
0xdf: {  	v7 =	vld [tilespmem:s29+$0x0]  }
0xe0: {  	v8 =	vld [tilespmem:s29+$0xFFFFFF80]  }
0xe1: {  	v9 =	vld.idx.msk [tilespmem:v9+s2+$0x0], $0xffff  }
0xe2: {  	v4 =	vld.idx.msk [tilespmem:v4+s2+$0x0], $0xffff  }
0xe3: {  	[tilespmem:v10+s21+$0x0] =	vst.idx.add.f32.msk $0xffff, v5  }
0xe4: {  	v5 =	vld [tilespmem:s28+$0x50]  }
0xe5: {  	v10 =	vld [tilespmem:s0+$0xFFFFFFC0]  }
0xe6: {  	v6 =	vld.idx.msk [tilespmem:v6+s2+$0x0], $0xffff  }
0xe7: {  	[tilespmem:v7+s21+$0x0] =	vst.idx.add.f32.msk $0xffff, v9  }
0xe8: {  	v7 =	vld [tilespmem:s31+$0x10]  }
0xe9: {  	[tilespmem:v8+s21+$0x0] =	vst.idx.add.f32.msk $0xffff, v4  }
0xea: {  	v4 =	vld [tilespmem:s0+$0x50]  }
0xeb: {  	v8 =	vld [tilespmem:s31+$0xFFFFFF90]  }
0xec: {  	v5 =	vld.idx.msk [tilespmem:v5+s2+$0x0], $0xffff  }
0xed: {  	v9 =	vld [tilespmem:s29+$0xFFFFFF90]  }
0xee: {  	v12 =	vld [tilespmem:s29+$0x10]  }
0xef: {  	[tilespmem:v10+s21+$0x0] =	vst.idx.add.f32.msk $0xffff, v6  }
0xf0: {  	v6 =	vld.idx.msk [tilespmem:v7+s2+$0x0], $0xffff  }
0xf1: {  	v7 =	vld [tilespmem:s28+$0xFFFFFFD0]  }
0xf2: {  	[tilespmem:v4+s21+$0x0] =	vst.idx.add.f32.msk $0xffff, v5  }
0xf3: {  	v4 =	vld [tilespmem:s28+$0x60]  }
0xf4: {  	v5 =	vld.idx.msk [tilespmem:v8+s2+$0x0], $0xffff  }
0xf5: {  	v8 =	vld [tilespmem:s0+$0xFFFFFFD0]  }
0xf6: {  	[tilespmem:v12+s21+$0x0] =	vst.idx.add.f32.msk $0xffff, v6  }
0xf7: {  	v6 =	vld [tilespmem:s31+$0x20]  }
0xf8: {  	[tilespmem:v3+s21+$0x0] =	vst.idx.add.f32.msk $0xffff, v2  }
0xf9: {  	v2 =	vld [tilespmem:s0+$0x60]  }
0xfa: {  	[tilespmem:v9+s21+$0x0] =	vst.idx.add.f32.msk $0xffff, v5  }
0xfb: {  	v3 =	vld.idx.msk [tilespmem:v4+s2+$0x0], $0xffff  }
0xfc: {  	v4 =	vld [tilespmem:s31+$0xFFFFFFA0]  }
0xfd: {  	v5 =	vld [tilespmem:s29+$0x20]  }
0xfe: {  	v9 =	vld [tilespmem:s29+$0xFFFFFFA0]  }
0xff: {  	v6 =	vld.idx.msk [tilespmem:v6+s2+$0x0], $0xffff  }
0x100: {  	v7 =	vld.idx.msk [tilespmem:v7+s2+$0x0], $0xffff  }
0x101: {  	[tilespmem:v2+s21+$0x0] =	vst.idx.add.f32.msk $0xffff, v3  }
0x102: {  	v2 =	vld [tilespmem:s28+$0x70]  }
0x103: {  	v10 =	vld [tilespmem:s25+$0xFFFFFFF0];
	s25 =	smov.u32 s28;
	s28 =	smov.u32 s31  }
0x104: {  	v3 =	vld.idx.msk [tilespmem:v4+s2+$0x0], $0xffff  }
0x105: {  	[tilespmem:v5+s21+$0x0] =	vst.idx.add.f32.msk $0xffff, v6  }
0x106: {  	v4 =	vld [tilespmem:s31+$0x30]  }
0x107: {  	[tilespmem:v8+s21+$0x0] =	vst.idx.add.f32.msk $0xffff, v7  }
0x108: {  	v5 =	vld [tilespmem:s0+$0x70]  }
0x109: {  	v7 =	vld [tilespmem:s25+$0xFFFFFFE0]  }
0x10a: {  	v2 =	vld.idx.msk [tilespmem:v2+s2+$0x0], $0xffff  }
0x10b: {  	[tilespmem:v9+s21+$0x0] =	vst.idx.add.f32.msk $0xffff, v3  }
0x10c: {  	v8 =	vld [tilespmem:s29+$0x30]  }
0x10d: {  	v9 =	vld [tilespmem:s31+$0xFFFFFFB0]  }
0x10e: {  	v12 =	vld.idx.msk [tilespmem:v4+s2+$0x0], $0xffff  }
0x10f: {  	v6 =	vld [tilespmem:s29+$0xFFFFFFB0]  }
0x110: {  	[tilespmem:v5+s21+$0x0] =	vst.idx.add.f32.msk $0xffff, v2  }
0x111: {  	v2 =	vld.idx.msk [tilespmem:v7+s2+$0x0], $0xffff  }
0x112: {  	v3 =	vld [tilespmem:s0+$0xFFFFFFE0]  }
0x113: {  	v4 =	vld.idx.msk [tilespmem:v10+s2+$0x0], $0xffff  }
.Ltmp3:
0x114: {  	[tilespmem:v8+s21+$0x0] =	vst.idx.add.f32.msk $0xffff, v12;
	(pc) =	sbr.rel @p1 .LBB2_4-.Ltmp3, $4  }
0x115: {  	v7 =	vld [tilespmem:s31+$0x40]  }
0x116: {  	v8 =	vld.idx.msk [tilespmem:v9+s2+$0x0], $0xffff  }
0x117: {  	v5 =	vld [tilespmem:s26+$0xFFFFFFF0];
	s26 =	smov.u32 s0;
	s0 =	smov.u32 s29  }
0x118: {  	s31 =	sadd.s32 $0x100, s31;
	[tilespmem:v11+s21+$0x0] =	vst.idx.add.f32.msk $0xffff, v1  }
0x119: {  	_ =	sdelay $0x2  }
0x11a: {  	v1 =	vld [tilespmem:s29+$0x40]  }
0x11b: {  	[tilespmem:v6+s21+$0x0] =	vst.idx.add.f32.msk $0xffff, v8  }
0x11c: {  	v6 =	vld [tilespmem:s28+$0xFFFFFFC0]  }
0x11d: {  	v7 =	vld.idx.msk [tilespmem:v7+s2+$0x0], $0xffff;
	_ =	sdelay $0x3  }
0x11e: {  	v8 =	vld [tilespmem:s0+$0xFFFFFFC0]  }
0x11f: {  	[tilespmem:v1+s21+$0x0] =	vst.idx.add.f32.msk $0xffff, v7  }
0x120: {  	v1 =	vld [tilespmem:s28+$0x50]  }
0x121: {  	v6 =	vld.idx.msk [tilespmem:v6+s2+$0x0], $0xffff;
	_ =	sdelay $0x3  }
0x122: {  	v7 =	vld [tilespmem:s0+$0x50]  }
0x123: {  	[tilespmem:v8+s21+$0x0] =	vst.idx.add.f32.msk $0xffff, v6  }
0x124: {  	v6 =	vld [tilespmem:s28+$0xFFFFFFD0]  }
0x125: {  	v1 =	vld.idx.msk [tilespmem:v1+s2+$0x0], $0xffff;
	_ =	sdelay $0x3  }
0x126: {  	v8 =	vld [tilespmem:s0+$0xFFFFFFD0]  }
0x127: {  	[tilespmem:v7+s21+$0x0] =	vst.idx.add.f32.msk $0xffff, v1  }
0x128: {  	v1 =	vld [tilespmem:s28+$0x60]  }
0x129: {  	v6 =	vld.idx.msk [tilespmem:v6+s2+$0x0], $0xffff;
	_ =	sdelay $0x3  }
0x12a: {  	v7 =	vld [tilespmem:s0+$0x60]  }
0x12b: {  	[tilespmem:v8+s21+$0x0] =	vst.idx.add.f32.msk $0xffff, v6  }
0x12c: {  	v6 =	vld [tilespmem:s28+$0xFFFFFFE0];
	_ =	sdelay $0x1  }
0x12d: {  	v1 =	vld.idx.msk [tilespmem:v1+s2+$0x0], $0xffff;
	_ =	sdelay $0x2  }
0x12e: {  	v8 =	vld [tilespmem:s0+$0xFFFFFFE0];
	_ =	sdelay $0x1  }
0x12f: {  	[tilespmem:v7+s21+$0x0] =	vst.idx.add.f32.msk $0xffff, v1  }
0x130: {  	v1 =	vld.idx.msk [tilespmem:v6+s2+$0x0], $0xffff;
	_ =	sdelay $0x1  }
0x131: {  	[tilespmem:v3+s21+$0x0] =	vst.idx.add.f32.msk $0xffff, v2  }
0x132: {  	v2 =	vld [tilespmem:s25+$0xFFFFFFF0]  }
0x133: {  	v6 =	vld [tilespmem:s28+$0x70]  }
0x134: {  	[tilespmem:v8+s21+$0x0] =	vst.idx.add.f32.msk $0xffff, v1  }
0x135: {  	v1 =	vld [tilespmem:s28+$0xFFFFFFF0];
	_ =	sdelay $0x2  }
0x136: {  	v7 =	vld [tilespmem:s26+$0xFFFFFFF0]  }
0x137: {  	v3 =	vld [tilespmem:s0+$0x70]  }
0x138: {  	v8 =	vld [tilespmem:s0+$0xFFFFFFF0]  }
0x139: {  	v2 =	vld.idx.msk [tilespmem:v2+s2+$0x0], $0xffff  }
0x13a: {  	v6 =	vld.idx.msk [tilespmem:v6+s2+$0x0], $0xffff  }
0x13b: {  	v1 =	vld.idx.msk [tilespmem:v1+s2+$0x0], $0xffff;
	_ =	sdelay $0x1  }
0x13c: {  	[tilespmem:v5+s21+$0x0] =	vst.idx.add.f32.msk $0xffff, v4  }
0x13d: {  	[tilespmem:v7+s21+$0x0] =	vst.idx.add.f32.msk $0xffff, v2  }
0x13e: {  	[tilespmem:v3+s21+$0x0] =	vst.idx.add.f32.msk $0xffff, v6  }
0x13f: {  	[tilespmem:v8+s21+$0x0] =	vst.idx.add.f32.msk $0xffff, v1  }
0x140: {  	v1 =	vld [tilespmem:$0x3A80];
	_ =	sdelay $0x4  }
0x141: {  	v2 =	vld [tilespmem:$0x6200];
	_ =	sdelay $0x2  }
0x142: {  	v1 =	vld.idx.msk [tilespmem:v1+s2+$0x0], $0xffff;
	_ =	sdelay $0x4  }
0x143: {  	[tilespmem:v2+s21+$0x0] =	vst.idx.add.f32.msk $0xffff, v1  }
0x144: {  	v1 =	vld [tilespmem:$0x3A90];
	_ =	sdelay $0x4  }
0x145: {  	v2 =	vld [tilespmem:$0x6210];
	_ =	sdelay $0x2  }
0x146: {  	v1 =	vld.idx.msk [tilespmem:v1+s2+$0x0], $0xffff;
	_ =	sdelay $0x4  }
0x147: {  	[tilespmem:v2+s21+$0x0] =	vst.idx.add.f32.msk $0xffff, v1  }
0x148: {  	v1 =	vld [tilespmem:$0x3AA0];
	_ =	sdelay $0x4  }
0x149: {  	v2 =	vld [tilespmem:$0x6220];
	_ =	sdelay $0x2  }
0x14a: {  	v1 =	vld.idx.msk [tilespmem:v1+s2+$0x0], $0xffff;
	_ =	sdelay $0x4  }
0x14b: {  	[tilespmem:v2+s21+$0x0] =	vst.idx.add.f32.msk $0xffff, v1  }
0x14c: {  	v1 =	vld [tilespmem:$0x3AB0];
	_ =	sdelay $0x4  }
0x14d: {  	v2 =	vld [tilespmem:$0x6230];
	_ =	sdelay $0x2  }
0x14e: {  	v1 =	vld.idx.msk [tilespmem:v1+s2+$0x0], $0xffff;
	_ =	sdelay $0x4  }
0x14f: {  	[tilespmem:v2+s21+$0x0] =	vst.idx.add.f32.msk $0xffff, v1  }
0x150: {  	v1 =	vld [tilespmem:$0x3AC0];
	_ =	sdelay $0x4  }
0x151: {  	v2 =	vld [tilespmem:$0x6240];
	_ =	sdelay $0x2  }
0x152: {  	v1 =	vld.idx.msk [tilespmem:v1+s2+$0x0], $0xffff;
	_ =	sdelay $0x4  }
0x153: {  	[tilespmem:v2+s21+$0x0] =	vst.idx.add.f32.msk $0xffff, v1  }
0x154: {  	v1 =	vld [tilespmem:$0x3AD0];
	_ =	sdelay $0x4  }
0x155: {  	v2 =	vld [tilespmem:$0x6250];
	_ =	sdelay $0x2  }
0x156: {  	v1 =	vld.idx.msk [tilespmem:v1+s2+$0x0], $0xffff;
	_ =	sdelay $0x4  }
0x157: {  	[tilespmem:v2+s21+$0x0] =	vst.idx.add.f32.msk $0xffff, v1  }
0x158: {  	v1 =	vld [tilespmem:$0x3AE0];
	_ =	sdelay $0x4  }
0x159: {  	v2 =	vld [tilespmem:$0x6260];
	_ =	sdelay $0x2  }
0x15a: {  	v1 =	vld.idx.msk [tilespmem:v1+s2+$0x0], $0xffff;
	_ =	sdelay $0x4  }
0x15b: {  	[tilespmem:v2+s21+$0x0] =	vst.idx.add.f32.msk $0xffff, v1  }
0x15c: {  	v1 =	vld [tilespmem:$0x3AF0];
	_ =	sdelay $0x4  }
0x15d: {  	v2 =	vld [tilespmem:$0x6270];
	_ =	sdelay $0x2  }
0x15e: {  	v1 =	vld.idx.msk [tilespmem:v1+s2+$0x0], $0xffff;
	_ =	sdelay $0x4  }
0x15f: {  	[tilespmem:v2+s21+$0x0] =	vst.idx.add.f32.msk $0xffff, v1  }
0x160: {  	_ =	swait.ge [sflag:s20], $0x1400  }
0x161: {  	[sflag:s20] =	ssyncset.done $0x0  }
0x162: {  	[sflag:s20] =	ssyncadd.s32 $0xFFFFEC00  }
0x163: {  	_ =	swait.ge [sflag:s20], $0x1400  }
0x164: {  	[sflag:s20] =	ssyncset.done $0x0  }
0x165: {  	s31 =	simm.s32 $0x3BF0;
	[sflag:s20] =	ssyncadd.s32 $0xFFFFEC00  }
0x166: {  	v1 =	vld [tilespmem:s31+$0xFFFFFF90];
	_ =	sdelay $0x3  }
0x167: {  	s30 =	simm.s32 $0x6370  }
0x168: {  	v2 =	vld [tilespmem:s30+$0xFFFFFF90]  }
0x169: {  	v3 =	vld [tilespmem:s31+$0xFFFFFF10];
	_ =	sdelay $0x1  }
0x16a: {  	v1 =	vld.idx.msk [tilespmem:v1+s2+$0x0], $0xffff;
	_ =	sdelay $0x3  }
0x16b: {  	v4 =	vld [tilespmem:s30+$0xFFFFFF10]  }
0x16c: {  	[tilespmem:v2+s21+$0x0] =	vst.idx.add.f32.msk $0xffff, v1  }
0x16d: {  	v2 =	vld.idx.msk [tilespmem:v3+s2+$0x0], $0xffff  }
0x16e: {  	v1 =	vld [tilespmem:s31+$0xFFFFFFA0];
	_ =	sdelay $0x3  }
0x16f: {  	v3 =	vld [tilespmem:s30+$0xFFFFFFA0]  }
0x170: {  	[tilespmem:v4+s21+$0x0] =	vst.idx.add.f32.msk $0xffff, v2  }
0x171: {  	v2 =	vld [tilespmem:s31+$0xFFFFFF20];
	_ =	sdelay $0x1  }
0x172: {  	v1 =	vld.idx.msk [tilespmem:v1+s2+$0x0], $0xffff;
	_ =	sdelay $0x3  }
0x173: {  	v4 =	vld [tilespmem:s30+$0xFFFFFF20]  }
0x174: {  	[tilespmem:v3+s21+$0x0] =	vst.idx.add.f32.msk $0xffff, v1  }
0x175: {  	v2 =	vld.idx.msk [tilespmem:v2+s2+$0x0], $0xffff  }
0x176: {  	v1 =	vld [tilespmem:s31+$0xFFFFFFB0];
	_ =	sdelay $0x3  }
0x177: {  	v3 =	vld [tilespmem:s30+$0xFFFFFFB0]  }
0x178: {  	[tilespmem:v4+s21+$0x0] =	vst.idx.add.f32.msk $0xffff, v2  }
0x179: {  	v2 =	vld [tilespmem:s31+$0xFFFFFF30];
	_ =	sdelay $0x1  }
0x17a: {  	v1 =	vld.idx.msk [tilespmem:v1+s2+$0x0], $0xffff;
	_ =	sdelay $0x3  }
0x17b: {  	v4 =	vld [tilespmem:s30+$0xFFFFFF30]  }
0x17c: {  	[tilespmem:v3+s21+$0x0] =	vst.idx.add.f32.msk $0xffff, v1  }
0x17d: {  	v2 =	vld.idx.msk [tilespmem:v2+s2+$0x0], $0xffff  }
0x17e: {  	v1 =	vld [tilespmem:s31+$0xFFFFFFC0];
	_ =	sdelay $0x3  }
0x17f: {  	v3 =	vld [tilespmem:s30+$0xFFFFFFC0]  }
0x180: {  	[tilespmem:v4+s21+$0x0] =	vst.idx.add.f32.msk $0xffff, v2  }
0x181: {  	v2 =	vld [tilespmem:s31+$0xFFFFFF40];
	_ =	sdelay $0x1  }
0x182: {  	v1 =	vld.idx.msk [tilespmem:v1+s2+$0x0], $0xffff;
	_ =	sdelay $0x1  }
0x183: {  	p3 =	sgt.u32 s9, $0x29  }
.Ltmp4:
0x184: {  	_ = 	snop;
	(pc) =	sbr.rel @!p3 .LBB2_6-.Ltmp4, $4  }
0x185: {  	v4 =	vld [tilespmem:s30+$0xFFFFFF40]  }
0x186: {  	[tilespmem:v3+s21+$0x0] =	vst.idx.add.f32.msk $0xffff, v1  }
0x187: {  	v8 =	vld.idx.msk [tilespmem:v2+s2+$0x0], $0xffff  }
0x188: {  	p1 =	por $0x0, $0x0;
	p2 =	por $0x0, $0x0;
	s25 =	simm.s32 $0x3CF0;
	v6 =	vld [tilespmem:s31+$0xFFFFFFD0]  }
0x189: {  	_ =	sdelay $0x3  }
0x18a: {  	v1 =	vld [tilespmem:s25+$0xFFFFFF90]  }
0x18b: {  	v3 =	vld [tilespmem:s25+$0xFFFFFF10]  }
0x18c: {  	v2 =	vld [tilespmem:s30+$0xFFFFFFD0]  }
0x18d: {  	[tilespmem:v4+s21+$0x0] =	vst.idx.add.f32.msk $0xffff, v8  }
0x18e: {  	v4 =	vld.idx.msk [tilespmem:v6+s2+$0x0], $0xffff  }
0x18f: {  	s26 =	simm.s32 $0x6470;
	v6 =	vld [tilespmem:s31+$0xFFFFFF50]  }
0x190: {  	v5 =	vld [tilespmem:s26+$0xFFFFFF90]  }
0x191: {  	v7 =	vld [tilespmem:s26+$0xFFFFFF10]  }
0x192: {  	v1 =	vld.idx.msk [tilespmem:v1+s2+$0x0], $0xffff  }
0x193: {  	v3 =	vld.idx.msk [tilespmem:v3+s2+$0x0], $0xffff  }
0x194: {  	[tilespmem:v2+s21+$0x0] =	vst.idx.add.f32.msk $0xffff, v4  }
0x195: {  	v4 =	vld [tilespmem:s30+$0xFFFFFF50]  }
0x196: {  	v2 =	vld [tilespmem:s31+$0xFFFFFFE0]  }
0x197: {  	v6 =	vld.idx.msk [tilespmem:v6+s2+$0x0], $0xffff  }
0x198: {  	[tilespmem:v5+s21+$0x0] =	vst.idx.add.f32.msk $0xffff, v1  }
0x199: {  	[tilespmem:v7+s21+$0x0] =	vst.idx.add.f32.msk $0xffff, v3  }
0x19a: {  	v1 =	vld [tilespmem:s25+$0xFFFFFFA0]  }
0x19b: {  	v3 =	vld [tilespmem:s25+$0xFFFFFF20]  }
0x19c: {  	v5 =	vld [tilespmem:s30+$0xFFFFFFE0]  }
0x19d: {  	v7 =	vld [tilespmem:s26+$0xFFFFFFA0]  }
0x19e: {  	v8 =	vld [tilespmem:s26+$0xFFFFFF20]  }
0x19f: {  	v2 =	vld.idx.msk [tilespmem:v2+s2+$0x0], $0xffff  }
0x1a0: {  	[tilespmem:v4+s21+$0x0] =	vst.idx.add.f32.msk $0xffff, v6  }
0x1a1: {  	v4 =	vld [tilespmem:s31+$0xFFFFFF60]  }
0x1a2: {  	v1 =	vld.idx.msk [tilespmem:v1+s2+$0x0], $0xffff  }
0x1a3: {  	v3 =	vld.idx.msk [tilespmem:v3+s2+$0x0], $0xffff  }
0x1a4: {  	[tilespmem:v5+s21+$0x0] =	vst.idx.add.f32.msk $0xffff, v2  }
0x1a5: {  	v2 =	vld [tilespmem:s31+$0xFFFFFFF0]  }
0x1a6: {  	v5 =	vld [tilespmem:s30+$0xFFFFFFF0]  }
0x1a7: {  	[tilespmem:v7+s21+$0x0] =	vst.idx.add.f32.msk $0xffff, v1  }
0x1a8: {  	v7 =	vld [tilespmem:s30+$0xFFFFFF60]  }
0x1a9: {  	v1 =	vld [tilespmem:s25+$0xFFFFFFB0]  }
0x1aa: {  	v4 =	vld.idx.msk [tilespmem:v4+s2+$0x0], $0xffff  }
0x1ab: {  	[tilespmem:v8+s21+$0x0] =	vst.idx.add.f32.msk $0xffff, v3  }
0x1ac: {  	v3 =	vld [tilespmem:s25+$0xFFFFFF30]  }
0x1ad: {  	v2 =	vld.idx.msk [tilespmem:v2+s2+$0x0], $0xffff  }
0x1ae: {  	v6 =	vld [tilespmem:s26+$0xFFFFFFB0];
	_ =	sdelay $0x1  }
0x1af: {  	[tilespmem:v7+s21+$0x0] =	vst.idx.add.f32.msk $0xffff, v4  }
0x1b0: {  	v1 =	vld.idx.msk [tilespmem:v1+s2+$0x0], $0xffff  }
0x1b1: {  	[tilespmem:v5+s21+$0x0] =	vst.idx.add.f32.msk $0xffff, v2  }
0x1b2: {  	v5 =	vld [tilespmem:s26+$0xFFFFFF30]  }
0x1b3: {  	v2 =	vld [tilespmem:s31+$0x0]  }
0x1b4: {  	v3 =	vld.idx.msk [tilespmem:v3+s2+$0x0], $0xffff  }
0x1b5: {  	[tilespmem:v6+s21+$0x0] =	vst.idx.add.f32.msk $0xffff, v1  }
0x1b6: {  	v1 =	vld [tilespmem:s25+$0xFFFFFFC0]  }
0x1b7: {  	v7 =	vld [tilespmem:s31+$0xFFFFFF70]  }
0x1b8: {  	v6 =	vld [tilespmem:s30+$0x0]  }
0x1b9: {  	v8 =	vld [tilespmem:s26+$0xFFFFFFC0]  }
0x1ba: {  	[tilespmem:v5+s21+$0x0] =	vst.idx.add.f32.msk $0xffff, v3  }
0x1bb: {  	v2 =	vld.idx.msk [tilespmem:v2+s2+$0x0], $0xffff  }
0x1bc: {  	v3 =	vld [tilespmem:s25+$0xFFFFFF40];
	_ =	sdelay $0x1  }
0x1bd: {  	v5 =	vld.idx.msk [tilespmem:v1+s2+$0x0], $0xffff  }
0x1be: {  	v4 =	vld [tilespmem:s26+$0xFFFFFF40]  }
0x1bf: {  	p3 =	sgt.u32 s9, $0x2B;
	v1 =	vld.idx.msk [tilespmem:v7+s2+$0x0], $0xffff  }
.Ltmp5:
0x1c0: {  	[tilespmem:v6+s21+$0x0] =	vst.idx.add.f32.msk $0xffff, v2;
	(pc) =	sbr.rel @!p3 .LBB2_8-.Ltmp5, $4  }
0x1c1: {  	v2 =	vld [tilespmem:s30+$0xFFFFFF70]  }
0x1c2: {  	[tilespmem:v8+s21+$0x0] =	vst.idx.add.f32.msk $0xffff, v5  }
0x1c3: {  	v8 =	vld.idx.msk [tilespmem:v3+s2+$0x0], $0xffff  }
0x1c4: {  	s28 =	simm.s32 $0x3DF0;
	p1 =	por $0x1, $0x1;
	v6 =	vld [tilespmem:s25+$0xFFFFFFD0]  }
0x1c5: {  	_ =	sdelay $0x2  }
0x1c6: {  	v3 =	vld [tilespmem:s28+$0xFFFFFF90]  }
0x1c7: {  	v5 =	vld [tilespmem:s28+$0xFFFFFF10]  }
0x1c8: {  	v7 =	vld [tilespmem:s26+$0xFFFFFFD0];
	s29 =	simm.s32 $0x6570  }
0x1c9: {  	v9 =	vld [tilespmem:s29+$0xFFFFFF10]  }
0x1ca: {  	[tilespmem:v4+s21+$0x0] =	vst.idx.add.f32.msk $0xffff, v8  }
0x1cb: {  	v4 =	vld.idx.msk [tilespmem:v6+s2+$0x0], $0xffff  }
0x1cc: {  	v6 =	vld [tilespmem:s25+$0xFFFFFF50]  }
0x1cd: {  	v8 =	vld [tilespmem:s29+$0xFFFFFF90]  }
0x1ce: {  	[tilespmem:v2+s21+$0x0] =	vst.idx.add.f32.msk $0xffff, v1  }
0x1cf: {  	v3 =	vld.idx.msk [tilespmem:v3+s2+$0x0], $0xffff  }
0x1d0: {  	v5 =	vld.idx.msk [tilespmem:v5+s2+$0x0], $0xffff  }
0x1d1: {  	[tilespmem:v7+s21+$0x0] =	vst.idx.add.f32.msk $0xffff, v4  }
0x1d2: {  	v7 =	vld [tilespmem:s26+$0xFFFFFF50]  }
0x1d3: {  	v4 =	vld [tilespmem:s25+$0xFFFFFFE0]  }
0x1d4: {  	v6 =	vld.idx.msk [tilespmem:v6+s2+$0x0], $0xffff  }
0x1d5: {  	[tilespmem:v8+s21+$0x0] =	vst.idx.add.f32.msk $0xffff, v3  }
0x1d6: {  	[tilespmem:v9+s21+$0x0] =	vst.idx.add.f32.msk $0xffff, v5  }
0x1d7: {  	v3 =	vld [tilespmem:s28+$0xFFFFFFA0]  }
0x1d8: {  	v5 =	vld [tilespmem:s26+$0xFFFFFFE0]  }
0x1d9: {  	v8 =	vld [tilespmem:s28+$0xFFFFFF20]  }
0x1da: {  	v9 =	vld [tilespmem:s29+$0xFFFFFF20]  }
0x1db: {  	v10 =	vld [tilespmem:s29+$0xFFFFFFA0]  }
0x1dc: {  	v4 =	vld.idx.msk [tilespmem:v4+s2+$0x0], $0xffff  }
0x1dd: {  	[tilespmem:v7+s21+$0x0] =	vst.idx.add.f32.msk $0xffff, v6  }
0x1de: {  	v6 =	vld [tilespmem:s25+$0xFFFFFF60]  }
0x1df: {  	v3 =	vld.idx.msk [tilespmem:v3+s2+$0x0], $0xffff  }
0x1e0: {  	v7 =	vld [tilespmem:s26+$0xFFFFFF60]  }
0x1e1: {  	[tilespmem:v5+s21+$0x0] =	vst.idx.add.f32.msk $0xffff, v4  }
0x1e2: {  	v4 =	vld [tilespmem:s25+$0xFFFFFFF0]  }
0x1e3: {  	v5 =	vld.idx.msk [tilespmem:v8+s2+$0x0], $0xffff  }
0x1e4: {  	[tilespmem:v10+s21+$0x0] =	vst.idx.add.f32.msk $0xffff, v3  }
0x1e5: {  	v3 =	vld [tilespmem:s28+$0xFFFFFFB0]  }
0x1e6: {  	v1 =	vld [tilespmem:s26+$0xFFFFFFF0]  }
0x1e7: {  	v6 =	vld.idx.msk [tilespmem:v6+s2+$0x0], $0xffff  }
0x1e8: {  	[tilespmem:v9+s21+$0x0] =	vst.idx.add.f32.msk $0xffff, v5  }
0x1e9: {  	v5 =	vld [tilespmem:s29+$0xFFFFFFB0]  }
0x1ea: {  	v2 =	vld.idx.msk [tilespmem:v4+s2+$0x0], $0xffff  }
0x1eb: {  	v9 =	vld [tilespmem:s31+$0xFFFFFF80]  }
0x1ec: {  	v4 =	vld [tilespmem:s28+$0xFFFFFF30]  }
0x1ed: {  	v3 =	vld.idx.msk [tilespmem:v3+s2+$0x0], $0xffff  }
0x1ee: {  	v8 =	vld [tilespmem:s29+$0xFFFFFF30]  }
0x1ef: {  	[tilespmem:v1+s21+$0x0] =	vst.idx.add.f32.msk $0xffff, v2  }
0x1f0: {  	v1 =	vld [tilespmem:s25+$0x0]  }
0x1f1: {  	[tilespmem:v7+s21+$0x0] =	vst.idx.add.f32.msk $0xffff, v6  }
0x1f2: {  	[tilespmem:v5+s21+$0x0] =	vst.idx.add.f32.msk $0xffff, v3  }
0x1f3: {  	v3 =	vld [tilespmem:s28+$0xFFFFFFC0]  }
0x1f4: {  	v2 =	vld.idx.msk [tilespmem:v4+s2+$0x0], $0xffff  }
0x1f5: {  	v5 =	vld [tilespmem:s26+$0x0]  }
0x1f6: {  	v6 =	vld [tilespmem:s25+$0xFFFFFF70]  }
0x1f7: {  	v7 =	vld [tilespmem:s29+$0xFFFFFFC0]  }
0x1f8: {  	v1 =	vld.idx.msk [tilespmem:v1+s2+$0x0], $0xffff  }
0x1f9: {  	[tilespmem:v8+s21+$0x0] =	vst.idx.add.f32.msk $0xffff, v2  }
0x1fa: {  	v8 =	vld [tilespmem:s28+$0xFFFFFF40]  }
0x1fb: {  	v3 =	vld.idx.msk [tilespmem:v3+s2+$0x0], $0xffff  }
0x1fc: {  	v4 =	vld [tilespmem:s29+$0xFFFFFF40]  }
0x1fd: {  	[tilespmem:v5+s21+$0x0] =	vst.idx.add.f32.msk $0xffff, v1  }
0x1fe: {  	v1 =	vld.idx.msk [tilespmem:v6+s2+$0x0], $0xffff  }
0x1ff: {  	p3 =	sgt.u32 s9, $0x2D;
	v5 =	vld.idx.msk [tilespmem:v9+s2+$0x0], $0xffff  }
.Ltmp6:
0x200: {  	[tilespmem:v7+s21+$0x0] =	vst.idx.add.f32.msk $0xffff, v3;
	(pc) =	sbr.rel @!p3 .LBB2_10-.Ltmp6, $4  }
0x201: {  	v6 =	vld [tilespmem:s28+$0xFFFFFFD0]  }
0x202: {  	v8 =	vld.idx.msk [tilespmem:v8+s2+$0x0], $0xffff  }
0x203: {  	p2 =	por $0x1, $0x1;
	v7 =	vld [tilespmem:s30+$0xFFFFFF80]  }
0x204: {  	s0 =	simm.s32 $0x6570;
	s31 =	simm.s32 $0x2D;
	v2 =	vld [tilespmem:s26+$0xFFFFFF70];
	s30 =	simm.s32 $0x3EF0  }
.LBB2_11:
0x205: {  	v9 =	vld [tilespmem:s30+$0xFFFFFF90];
	s31 =	sadd.s32 $0x2, s31;
	v3 =	vmov v5  }
0x206: {  	v5 =	vld [tilespmem:s30+$0xFFFFFF10];
	p3 =	slt.u32 s31, s9  }
0x207: {  	v10 =	vld [tilespmem:s29+$0xFFFFFFD0]  }
0x208: {  	[tilespmem:v4+s21+$0x0] =	vst.idx.add.f32.msk $0xffff, v8;
	v11 =	vmov v7  }
0x209: {  	v4 =	vld.idx.msk [tilespmem:v6+s2+$0x0], $0xffff  }
0x20a: {  	s29 =	sadd.s32 $0x100, s29;
	v6 =	vld [tilespmem:s28+$0xFFFFFF50]  }
0x20b: {  	v7 =	vld [tilespmem:s29+$0xFFFFFF90]  }
0x20c: {  	v8 =	vld [tilespmem:s29+$0xFFFFFF10]  }
0x20d: {  	v9 =	vld.idx.msk [tilespmem:v9+s2+$0x0], $0xffff  }
0x20e: {  	v5 =	vld.idx.msk [tilespmem:v5+s2+$0x0], $0xffff  }
0x20f: {  	[tilespmem:v10+s21+$0x0] =	vst.idx.add.f32.msk $0xffff, v4  }
0x210: {  	v4 =	vld [tilespmem:s28+$0xFFFFFFE0]  }
0x211: {  	v10 =	vld [tilespmem:s0+$0xFFFFFF50]  }
0x212: {  	v6 =	vld.idx.msk [tilespmem:v6+s2+$0x0], $0xffff  }
0x213: {  	[tilespmem:v7+s21+$0x0] =	vst.idx.add.f32.msk $0xffff, v9  }
0x214: {  	v7 =	vld [tilespmem:s30+$0xFFFFFFA0]  }
0x215: {  	[tilespmem:v8+s21+$0x0] =	vst.idx.add.f32.msk $0xffff, v5  }
0x216: {  	v5 =	vld [tilespmem:s0+$0xFFFFFFE0]  }
0x217: {  	v8 =	vld [tilespmem:s30+$0xFFFFFF20]  }
0x218: {  	v4 =	vld.idx.msk [tilespmem:v4+s2+$0x0], $0xffff  }
0x219: {  	v9 =	vld [tilespmem:s29+$0xFFFFFF20]  }
0x21a: {  	v12 =	vld [tilespmem:s29+$0xFFFFFFA0]  }
0x21b: {  	[tilespmem:v10+s21+$0x0] =	vst.idx.add.f32.msk $0xffff, v6  }
0x21c: {  	v6 =	vld.idx.msk [tilespmem:v7+s2+$0x0], $0xffff  }
0x21d: {  	v7 =	vld [tilespmem:s28+$0xFFFFFF60]  }
0x21e: {  	[tilespmem:v5+s21+$0x0] =	vst.idx.add.f32.msk $0xffff, v4  }
0x21f: {  	v4 =	vld [tilespmem:s28+$0xFFFFFFF0]  }
0x220: {  	v5 =	vld.idx.msk [tilespmem:v8+s2+$0x0], $0xffff  }
0x221: {  	v8 =	vld [tilespmem:s0+$0xFFFFFF60]  }
0x222: {  	[tilespmem:v12+s21+$0x0] =	vst.idx.add.f32.msk $0xffff, v6  }
0x223: {  	v6 =	vld [tilespmem:s30+$0xFFFFFFB0]  }
0x224: {  	[tilespmem:v2+s21+$0x0] =	vst.idx.add.f32.msk $0xffff, v1  }
0x225: {  	v1 =	vld [tilespmem:s0+$0xFFFFFFF0]  }
0x226: {  	[tilespmem:v9+s21+$0x0] =	vst.idx.add.f32.msk $0xffff, v5  }
0x227: {  	v2 =	vld.idx.msk [tilespmem:v4+s2+$0x0], $0xffff  }
0x228: {  	v4 =	vld [tilespmem:s30+$0xFFFFFF30]  }
0x229: {  	v5 =	vld [tilespmem:s29+$0xFFFFFFB0]  }
0x22a: {  	v9 =	vld [tilespmem:s29+$0xFFFFFF30]  }
0x22b: {  	v6 =	vld.idx.msk [tilespmem:v6+s2+$0x0], $0xffff  }
0x22c: {  	v7 =	vld.idx.msk [tilespmem:v7+s2+$0x0], $0xffff  }
0x22d: {  	[tilespmem:v1+s21+$0x0] =	vst.idx.add.f32.msk $0xffff, v2  }
0x22e: {  	v1 =	vld [tilespmem:s28+$0x0]  }
0x22f: {  	v10 =	vld [tilespmem:s25+$0xFFFFFF80];
	s25 =	smov.u32 s28;
	s28 =	smov.u32 s30  }
0x230: {  	v2 =	vld.idx.msk [tilespmem:v4+s2+$0x0], $0xffff  }
0x231: {  	[tilespmem:v5+s21+$0x0] =	vst.idx.add.f32.msk $0xffff, v6  }
0x232: {  	v4 =	vld [tilespmem:s30+$0xFFFFFFC0]  }
0x233: {  	[tilespmem:v8+s21+$0x0] =	vst.idx.add.f32.msk $0xffff, v7  }
0x234: {  	v5 =	vld [tilespmem:s0+$0x0]  }
0x235: {  	v6 =	vld [tilespmem:s25+$0xFFFFFF70]  }
0x236: {  	v1 =	vld.idx.msk [tilespmem:v1+s2+$0x0], $0xffff  }
0x237: {  	[tilespmem:v9+s21+$0x0] =	vst.idx.add.f32.msk $0xffff, v2  }
0x238: {  	v7 =	vld [tilespmem:s29+$0xFFFFFFC0]  }
0x239: {  	v8 =	vld [tilespmem:s30+$0xFFFFFF40]  }
0x23a: {  	v9 =	vld.idx.msk [tilespmem:v4+s2+$0x0], $0xffff  }
0x23b: {  	v4 =	vld [tilespmem:s29+$0xFFFFFF40]  }
0x23c: {  	[tilespmem:v5+s21+$0x0] =	vst.idx.add.f32.msk $0xffff, v1  }
0x23d: {  	v1 =	vld.idx.msk [tilespmem:v6+s2+$0x0], $0xffff  }
0x23e: {  	v2 =	vld [tilespmem:s0+$0xFFFFFF70]  }
0x23f: {  	v5 =	vld.idx.msk [tilespmem:v10+s2+$0x0], $0xffff  }
.Ltmp7:
0x240: {  	[tilespmem:v7+s21+$0x0] =	vst.idx.add.f32.msk $0xffff, v9;
	(pc) =	sbr.rel @p3 .LBB2_11-.Ltmp7, $4  }
0x241: {  	v6 =	vld [tilespmem:s30+$0xFFFFFFD0]  }
0x242: {  	v8 =	vld.idx.msk [tilespmem:v8+s2+$0x0], $0xffff  }
0x243: {  	v7 =	vld [tilespmem:s26+$0xFFFFFF80];
	s26 =	smov.u32 s0;
	s0 =	smov.u32 s29  }
0x244: {  	s30 =	sadd.s32 $0x100, s30;
	[tilespmem:v11+s21+$0x0] =	vst.idx.add.f32.msk $0xffff, v3  }
0x245: {  	s31 =	smov.u32 s25;
	s30 =	smov.u32 s26  }
.LBB2_13:
0x246: {  	_ =	sdelay $0x3  }
0x247: {  	[tilespmem:v4+s21+$0x0] =	vst.idx.add.f32.msk $0xffff, v8  }
0x248: {  	v4 =	vld [tilespmem:s28+$0xFFFFFF50]  }
0x249: {  	v3 =	vld [tilespmem:s29+$0xFFFFFFD0];
	_ =	sdelay $0x2  }
0x24a: {  	v6 =	vld.idx.msk [tilespmem:v6+s2+$0x0], $0xffff  }
0x24b: {  	v8 =	vld [tilespmem:s0+$0xFFFFFF50];
	_ =	sdelay $0x2  }
0x24c: {  	v4 =	vld.idx.msk [tilespmem:v4+s2+$0x0], $0xffff  }
0x24d: {  	[tilespmem:v3+s21+$0x0] =	vst.idx.add.f32.msk $0xffff, v6  }
0x24e: {  	v3 =	vld [tilespmem:s28+$0xFFFFFFE0];
	_ =	sdelay $0x2  }
0x24f: {  	[tilespmem:v8+s21+$0x0] =	vst.idx.add.f32.msk $0xffff, v4  }
0x250: {  	v4 =	vld [tilespmem:s28+$0xFFFFFF60]  }
0x251: {  	v6 =	vld [tilespmem:s0+$0xFFFFFFE0];
	_ =	sdelay $0x2  }
0x252: {  	v3 =	vld.idx.msk [tilespmem:v3+s2+$0x0], $0xffff  }
0x253: {  	v8 =	vld [tilespmem:s0+$0xFFFFFF60];
	_ =	sdelay $0x2  }
0x254: {  	v4 =	vld.idx.msk [tilespmem:v4+s2+$0x0], $0xffff  }
0x255: {  	[tilespmem:v6+s21+$0x0] =	vst.idx.add.f32.msk $0xffff, v3  }
0x256: {  	v3 =	vld [tilespmem:s28+$0xFFFFFFF0];
	_ =	sdelay $0x2  }
0x257: {  	[tilespmem:v8+s21+$0x0] =	vst.idx.add.f32.msk $0xffff, v4  }
0x258: {  	v4 =	vld [tilespmem:s28+$0xFFFFFF70]  }
0x259: {  	v6 =	vld [tilespmem:s0+$0xFFFFFFF0];
	_ =	sdelay $0x2  }
0x25a: {  	v3 =	vld.idx.msk [tilespmem:v3+s2+$0x0], $0xffff  }
0x25b: {  	v8 =	vld [tilespmem:s0+$0xFFFFFF70];
	_ =	sdelay $0x1  }
0x25c: {  	[tilespmem:v2+s21+$0x0] =	vst.idx.add.f32.msk @p1 $0xffff, v1  }
0x25d: {  	v1 =	vld.idx.msk [tilespmem:v4+s2+$0x0], $0xffff  }
0x25e: {  	[tilespmem:v6+s21+$0x0] =	vst.idx.add.f32.msk $0xffff, v3  }
0x25f: {  	v3 =	vld @p1 [tilespmem:s31+$0xFFFFFF80];
	_ =	sdelay $0x1  }
0x260: {  	v2 =	vld [tilespmem:s28+$0x0]  }
0x261: {  	[tilespmem:v8+s21+$0x0] =	vst.idx.add.f32.msk $0xffff, v1  }
0x262: {  	v1 =	vld [tilespmem:s28+$0xFFFFFF80];
	_ =	sdelay $0x1  }
0x263: {  	v4 =	vld @p1 [tilespmem:s30+$0xFFFFFF80]  }
0x264: {  	v6 =	vld [tilespmem:s0+$0x0]  }
0x265: {  	v3 =	vld.idx.msk @p1 [tilespmem:v3+s2+$0x0], $0xffff  }
0x266: {  	v8 =	vld [tilespmem:s0+$0xFFFFFF80]  }
0x267: {  	v2 =	vld.idx.msk [tilespmem:v2+s2+$0x0], $0xffff  }
0x268: {  	v4 =	vpsel p1, v4, v0  }
0x269: {  	v1 =	vld.idx.msk [tilespmem:v1+s2+$0x0], $0xffff  }
.Ltmp8:
0x26a: {  	_ = 	snop;
	(pc) =	sbr.rel @p0 .LBB2_15-.Ltmp8, $4  }
0x26b: {  	[tilespmem:v7+s21+$0x0] =	vst.idx.add.f32.msk @p2 $0xffff, v5  }
0x26c: {  	[tilespmem:v6+s21+$0x0] =	vst.idx.add.f32.msk $0xffff, v2;
	v2 =	vpsel p1, v3, v0  }
0x26d: {  	[tilespmem:v4+s21+$0x0] =	vst.idx.add.f32.msk @p1 $0xffff, v2  }
0x26e: {  	s25 =	smov.u32 s12;
	s26 =	smov.u32 s9;
	s0 =	smov.u32 s13;
	[tilespmem:v8+s21+$0x0] =	vst.idx.add.f32.msk $0xffff, v1  }
.LBB2_14:
0x26f: {  	v1 =	vld [tilespmem:s25+$0xFFFFFF90];
	_ =	sdelay $0x4  }
0x270: {  	v2 =	vld [tilespmem:s0+$0xFFFFFF90];
	_ =	sdelay $0x2  }
0x271: {  	v1 =	vld.idx.msk [tilespmem:v1+s2+$0x0], $0xffff;
	_ =	sdelay $0x4  }
0x272: {  	[tilespmem:v2+s21+$0x0] =	vst.idx.add.f32.msk $0xffff, v1  }
0x273: {  	v1 =	vld [tilespmem:s25+$0xFFFFFFA0];
	_ =	sdelay $0x4  }
0x274: {  	v2 =	vld [tilespmem:s0+$0xFFFFFFA0];
	_ =	sdelay $0x2  }
0x275: {  	v1 =	vld.idx.msk [tilespmem:v1+s2+$0x0], $0xffff;
	_ =	sdelay $0x4  }
0x276: {  	[tilespmem:v2+s21+$0x0] =	vst.idx.add.f32.msk $0xffff, v1  }
0x277: {  	v1 =	vld [tilespmem:s25+$0xFFFFFFB0];
	_ =	sdelay $0x4  }
0x278: {  	v2 =	vld [tilespmem:s0+$0xFFFFFFB0];
	_ =	sdelay $0x2  }
0x279: {  	v1 =	vld.idx.msk [tilespmem:v1+s2+$0x0], $0xffff;
	_ =	sdelay $0x4  }
0x27a: {  	[tilespmem:v2+s21+$0x0] =	vst.idx.add.f32.msk $0xffff, v1  }
0x27b: {  	v1 =	vld [tilespmem:s25+$0xFFFFFFC0];
	_ =	sdelay $0x4  }
0x27c: {  	v2 =	vld [tilespmem:s0+$0xFFFFFFC0];
	_ =	sdelay $0x2  }
0x27d: {  	v1 =	vld.idx.msk [tilespmem:v1+s2+$0x0], $0xffff;
	_ =	sdelay $0x4  }
0x27e: {  	[tilespmem:v2+s21+$0x0] =	vst.idx.add.f32.msk $0xffff, v1  }
0x27f: {  	v1 =	vld [tilespmem:s25+$0xFFFFFFD0];
	_ =	sdelay $0x4  }
0x280: {  	v2 =	vld [tilespmem:s0+$0xFFFFFFD0];
	_ =	sdelay $0x2  }
0x281: {  	v1 =	vld.idx.msk [tilespmem:v1+s2+$0x0], $0xffff;
	_ =	sdelay $0x4  }
0x282: {  	[tilespmem:v2+s21+$0x0] =	vst.idx.add.f32.msk $0xffff, v1  }
0x283: {  	v1 =	vld [tilespmem:s25+$0xFFFFFFE0];
	_ =	sdelay $0x4  }
0x284: {  	v2 =	vld [tilespmem:s0+$0xFFFFFFE0];
	_ =	sdelay $0x2  }
0x285: {  	v1 =	vld.idx.msk [tilespmem:v1+s2+$0x0], $0xffff;
	_ =	sdelay $0x4  }
0x286: {  	[tilespmem:v2+s21+$0x0] =	vst.idx.add.f32.msk $0xffff, v1  }
0x287: {  	v1 =	vld [tilespmem:s25+$0xFFFFFFF0];
	_ =	sdelay $0x4  }
0x288: {  	v2 =	vld [tilespmem:s0+$0xFFFFFFF0];
	_ =	sdelay $0x2  }
0x289: {  	v1 =	vld.idx.msk [tilespmem:v1+s2+$0x0], $0xffff;
	_ =	sdelay $0x4  }
0x28a: {  	[tilespmem:v2+s21+$0x0] =	vst.idx.add.f32.msk $0xffff, v1  }
0x28b: {  	v1 =	vld [tilespmem:s25+$0x0];
	_ =	sdelay $0x4  }
0x28c: {  	v2 =	vld [tilespmem:s0+$0x0];
	_ =	sdelay $0x1  }
0x28d: {  	s26 =	sadd.s32 $0x1, s26  }
0x28e: {  	p1 =	slt.u32 s26, s4;
	v1 =	vld.idx.msk [tilespmem:v1+s2+$0x0], $0xffff  }
.Ltmp9:
0x28f: {  	_ = 	snop;
	(pc) =	sbr.rel @p1 .LBB2_14-.Ltmp9, $2  }
0x290: {  	_ =	sdelay $0x2  }
0x291: {  	s25 =	sadd.s32 $0x80, s25;
	s0 =	sadd.s32 $0x80, s0;
	[tilespmem:v2+s21+$0x0] =	vst.idx.add.f32.msk $0xffff, v1  }
.Ltmp10:
0x292: {  	_ = 	snop;
	(pc) =	sbr.rel .LBB2_15-.Ltmp10, $1  }
0x293: {  	_ =	sdelay $0x3  }
.LBB2_6:
.Ltmp11:
0x294: {  	(pc) =	sbr.rel .LBB2_13-.Ltmp11, $2  }
0x295: {  	_ =	sdelay $0x2  }
0x296: {  	s29 =	simm.s32 $0x6370;
	s28 =	simm.s32 $0x3BF0;
	s0 =	simm.s32 $0x6370  }
.LBB2_8:
.Ltmp12:
0x297: {  	(pc) =	sbr.rel .LBB2_13-.Ltmp12, $2  }
0x298: {  	_ =	sdelay $0x2  }
0x299: {  	s29 =	simm.s32 $0x6470;
	s28 =	simm.s32 $0x3CF0;
	s0 =	simm.s32 $0x6470  }
.LBB2_10:
.Ltmp13:
0x29a: {  	(pc) =	sbr.rel .LBB2_13-.Ltmp13, $2  }
0x29b: {  	_ =	sdelay $0x2  }
0x29c: {  	s0 =	simm.s32 $0x6570;
	s31 =	simm.s32 $0x3CF0;
	s30 =	simm.s32 $0x6470  }
.LBB2_16:
0x29d: {  	_ =	sfence.sel $0x180000  }
0x29e: {  	[bflag:$0x0] =	sbarrier.arrive $0xFFFF  }
0x29f: {  	_ =	strace $0x90000047  }
0x2a0: {  	[bflag:$0x2] =	sbarrier.arrive $0xFFFF  }
0x2a1: {  	p0 =	sne.s32 s1, $0x0;
	s0 =	rddreg [dreg:$0x2]  }
0x2a2: {  	s0 =	sadd.s32 @!p0 $0x100000, s0  }
0x2a3: {  	[sflag:s0] =	ssyncadd.tile.s32 @!p0 $0x1;
	_ =	shalt  }
.Lfunc_end2:
_tile_overlayer_lowered:
.L_overlay_start_2:
0x2a4: {  	(tag) =	ssettag $0x2  }
0x2a5: {  	s0 =	rddreg [dreg:$0x0];
	s2 =	stileid.u32  }
0x2a6: {  	s1 =	rddreg [dreg:$0x1];
	p0 =	sne.s32 s2, $0x0  }
0x2a7: {  	s3 =	rddreg [dreg:$0x2];
	[bflag:$0x3] =	sbarrier.arrive $0xFFFF;
	s2 =	simm.s32 @!p0 $0x1C02  }
0x2a8: {  	[timem:s3], [sflag:s2] =	dma.local @!p0 [hbm:s0], s1  }
0x2a9: {  	s0 =	simm.s32 @!p0 $0x2  }
0x2aa: {  	_ =	swait.ge @!p0 [sflag:s0], s1  }
0x2ab: {  	s1 =	ssub.s32 @!p0 $0x0, s1;
	[sflag:s0] =	ssyncset.done @!p0 $0x0  }
0x2ac: {  	[sflag:s0] =	ssyncadd.s32 @!p0 s1  }
0x2ad: {  	[bflag:$0x3] =	sbarrier.arrive $0xFFFF  }
0x2ae: {  	_ =	shalt  }

</sc_bundles>
